<compile_context>
chip_gen: v7x
topology: tpu7x:2x2x1
jax: 0.10.2.dev20260603
libtpu: 0.0.44.dev20260713+nightly
codegen_flags: <defaults>
</compile_context>

<pallas_src>
import jax
import jax.numpy as jnp
from jax.experimental import pallas as pl
from jax.experimental.pallas import tpu as pltpu

PSZ = 14
NP = 16
NPP = 17
CH = 96
NEXP = 8
CB = 16
NCB = CH // CB
NPAT = NPP * NPP
TL = PSZ * PSZ


def _patchify_kernel(x_ref, t_ref, m_ref):
    xb = x_ref[0]
    zt = jnp.zeros((CB, 1, TL), jnp.float32)
    for pv in range(NP):
        rp = xb[:, pv * PSZ:(pv + 1) * PSZ, :]
        tiles = rp.reshape(CB, PSZ, NP, PSZ).transpose(0, 2, 1, 3)
        tiles = tiles.reshape(CB, NP, TL)
        t_ref[0, :, pv * NPP:pv * NPP + NP, :] = tiles
        t_ref[0, :, pv * NPP + NP:(pv + 1) * NPP, :] = zt
    t_ref[0, :, NP * NPP:NPAT, :] = jnp.zeros((CB, NPAT - NP * NPP, TL),
                                              jnp.float32)
    xr = xb.reshape(CB, NP, PSZ, 224)
    s_row = xr.sum(axis=2)
    z1 = jnp.zeros((CB, 1, 224), jnp.float32)
    z2 = jnp.zeros((CB, 2, 224), jnp.float32)
    w = (jnp.concatenate([s_row, z1], axis=1)
         + jnp.concatenate([z1, xr[:, :, PSZ - 1, :]], axis=1)
         + jnp.concatenate([xr[:, 1:, 0, :], z2], axis=1))
    xc = w.reshape(CB, NPP, NP, PSZ)
    s_col = xc.sum(axis=3)
    c1 = jnp.zeros((CB, NPP, 1), jnp.float32)
    c2 = jnp.zeros((CB, NPP, 2), jnp.float32)
    m = (jnp.concatenate([s_col, c1], axis=2)
         + jnp.concatenate([c1, xc[:, :, :, PSZ - 1]], axis=2)
         + jnp.concatenate([xc[:, :, 1:, 0], c2], axis=2))
    m_ref[0] = m * (1.0 / 256.0)


def _gate_kernel(m_ref, wg_ref, bg_ref, s_ref, e_ref):
    pooled = m_ref[0]
    logits = jax.lax.dot_general(
        pooled, wg_ref[...], (((1,), (0,)), ((), ())),
        preferred_element_type=jnp.float32)
    logits = logits + bg_ref[...]
    mx = jnp.max(logits, axis=1, keepdims=True)
    s_ref[0, 0, :] = 1.0 / jnp.sum(jnp.exp(logits - mx), axis=1)
    e_ref[0, 0, :] = jnp.argmax(logits, axis=1).astype(jnp.int32)


GRP = 17


def _apply_kernel(s_sm, e_sm, t_ref, we_ref, be_ref, y_ref):
    base = pl.program_id(0) * NPAT + pl.program_id(1) * GRP
    for g in range(GRP):
        idx = e_sm[base + g]
        sv = s_sm[base + g]
        y = jax.lax.dot_general(
            we_ref[idx], t_ref[0, g], (((1,), (0,)), ((), ())),
            preferred_element_type=jnp.float32)
        y_ref[0, g] = (y + be_ref[idx][:, None]) * sv


def _rearrange_kernel(y_ref, out_ref):
    v = y_ref[0, :, 0, :NP, :]
    kh_i = jax.lax.broadcasted_iota(jnp.int32, (PSZ, NP * PSZ), 0)
    j_i = jax.lax.broadcasted_iota(jnp.int32, (PSZ, NP * PSZ), 1)
    rep = (j_i % PSZ == kh_i).astype(jnp.float32)
    nh_i = jax.lax.broadcasted_iota(jnp.int32, (NP, NP * PSZ), 0)
    sel = (j_i[0:1] // PSZ == nh_i).astype(jnp.float32)[None]
    for kv in range(PSZ):
        vk = v[:, :, kv * PSZ:(kv + 1) * PSZ].reshape(CH * NP, PSZ)
        tmp = jax.lax.dot_general(
            vk, rep, (((1,), (0,)), ((), ())),
            preferred_element_type=jnp.float32)
        tmp = tmp.reshape(CH, NP, NP * PSZ) * sel
        out_ref[0, :, 0, kv, :] = tmp.sum(axis=1)


def kernel(x, Wg, bg, We, be):
    B = x.shape[0]
    t, m = pl.pallas_call(
        _patchify_kernel,
        grid=(B, NCB),
        in_specs=[pl.BlockSpec((1, CB, 224, 224),
                               lambda b, cb: (b, cb, 0, 0))],
        out_specs=[
            pl.BlockSpec((1, CB, NPAT, TL), lambda b, cb: (b, cb, 0, 0)),
            pl.BlockSpec((1, CB, NPP, NPP), lambda b, cb: (b, cb, 0, 0)),
        ],
        out_shape=[
            jax.ShapeDtypeStruct((B, CH, NPAT, TL), jnp.float32),
            jax.ShapeDtypeStruct((B, CH, NPP, NPP), jnp.float32),
        ],
    )(x)

    s3, e3 = pl.pallas_call(
        _gate_kernel,
        grid=(B,),
        in_specs=[
            pl.BlockSpec((1, NPAT, CH), lambda b: (b, 0, 0)),
            pl.BlockSpec((CH, NEXP), lambda b: (0, 0)),
            pl.BlockSpec((1, NEXP), lambda b: (0, 0)),
        ],
        out_specs=[
            pl.BlockSpec((1, 1, NPAT), lambda b: (b, 0, 0)),
            pl.BlockSpec((1, 1, NPAT), lambda b: (b, 0, 0)),
        ],
        out_shape=[
            jax.ShapeDtypeStruct((B, 1, NPAT), jnp.float32),
            jax.ShapeDtypeStruct((B, 1, NPAT), jnp.int32),
        ],
    )(m.reshape(B, NPAT, CH), Wg, bg.reshape(1, NEXP))

    y = pl.pallas_call(
        _apply_kernel,
        grid_spec=pltpu.PrefetchScalarGridSpec(
            num_scalar_prefetch=2,
            grid=(B, NPAT // GRP),
            in_specs=[
                pl.BlockSpec((1, GRP, CH, TL), lambda b, i, *_: (b, i, 0, 0)),
                pl.BlockSpec((NEXP, CH, CH), lambda b, i, *_: (0, 0, 0)),
                pl.BlockSpec((NEXP, CH), lambda b, i, *_: (0, 0)),
            ],
            out_specs=pl.BlockSpec((1, GRP, CH, TL), lambda b, i, *_: (b, i, 0, 0)),
        ),
        out_shape=jax.ShapeDtypeStruct((B, NPAT, CH, TL), jnp.float32),
    )(s3.reshape(B * NPAT), e3.reshape(B * NPAT),
      t.reshape(B, NPAT, CH, TL), We, be)

    out = pl.pallas_call(
        _rearrange_kernel,
        grid=(B, NP),
        in_specs=[
            pl.BlockSpec((1, CH, 1, NPP, TL), lambda b, nv: (b, 0, nv, 0, 0)),
        ],
        out_specs=pl.BlockSpec((1, CH, 1, PSZ, NP * PSZ),
                               lambda b, nv: (b, 0, nv, 0, 0)),
        out_shape=jax.ShapeDtypeStruct((B, CH, NP, PSZ, NP * PSZ), jnp.float32),
    )(y.reshape(B, CH, NPP, NPP, TL))
    return out.reshape(B, CH, NP * PSZ, NP * PSZ)

# --- scband reference (transcript-rebuilt; emitter-appended) ---
"""Pipeline reference for scband-patch-moelayer-73134703116968 (READ-ONLY COPY).

The authoritative reference and input builder live on the scoring server;
editing this copy changes nothing except your own understanding.
"""

import jax, jax.numpy as jnp
import numpy as np

PS = 14
E = 8


def patchify(x, ps):
    B, C, H, W = x.shape
    nv = H // ps
    nh = W // ps
    xp = jnp.pad(x, ((0, 0), (0, 0), (1, 1), (1, 1)))
    k = ps + 2
    rows = (jnp.arange(nv) * ps)[:, None] + jnp.arange(k)[None, :]
    cols = (jnp.arange(nh) * ps)[:, None] + jnp.arange(k)[None, :]
    p = xp[:, :, rows, :]              # [B, C, nv, k, W+2]
    p = p[:, :, :, :, cols]            # [B, C, nv, k, nh, k]
    p = p.transpose(0, 1, 2, 4, 3, 5)  # [B, C, nv, nh, k, k] (matches torch unfold layout)
    # torch does a raw .reshape from this layout -> replicate exactly (row-major)
    return p.reshape(B * nv * nh, C, k, k)


def unpatchify(x, h, w, ps):
    # strip the 1-px halo
    x = x[:, :, 1:-1, 1:-1]
    nv = h // ps
    nh = w // ps
    c = x.shape[1]
    p = x.reshape(-1, c, nv * nh, ps * ps)   # replicates torch reshape semantics
    p = p.transpose(0, 1, 3, 2)              # [B, c, ps*ps, L]
    p = p.reshape(-1, c * ps * ps, nv * nh)  # torch .contiguous().view
    # F.fold with non-overlapping kernel==stride is a pure rearrangement
    p = p.reshape(-1, c, ps, ps, nv, nh)     # channel dim order (c, kv, kh), L row-major (nv, nh)
    p = p.transpose(0, 1, 4, 2, 5, 3)        # [B, c, nv, kv, nh, kh]
    return p.reshape(-1, c, nv * ps, nh * ps)


def reference(x, Wg, bg, We, be):
    B, C, H, W = x.shape
    # torch: v_pad = ps - H % ps (pads a full extra patch when divisible)
    v_pad = PS - H % PS
    h_pad = PS - W % PS
    xpad = jnp.pad(x, ((0, 0), (0, 0), (0, v_pad), (0, h_pad)))
    b, c, h, w = xpad.shape
    patched = patchify(xpad, PS)  # [N, C, 16, 16]
    # ---- gate: spatial avg pool -> linear -> softmax -> top-1 routing weights ----
    pooled = patched.mean(axis=(2, 3))         # [N, C]
    logits = pooled @ Wg + bg                  # [N, E]
    probs = jax.nn.softmax(logits, axis=-1)
    top_idx = jnp.argmax(probs, axis=-1)
    routing = jax.nn.one_hot(top_idx, E, dtype=probs.dtype) * probs  # [N, E]
    # ---- experts: pointwise (1x1 conv) experts; out = sum_e routing[:,e] * expert_e(x) ----
    # (mathematically identical to torch's masked dispatch + scatter + weighted sum)
    out = jnp.zeros_like(patched)
    for e in range(E):
        y = jnp.einsum('ncij,oc->noij', patched, We[e]) + be[e][None, :, None, None]
        out = out + routing[:, e][:, None, None, None] * y
    xr = unpatchify(out, h, w, PS)
    # ps_channel == original_c -> no channel-patch reduction branch
    return xr[:, :, :H, :W]


def setup_inputs(seed: int = 0) -> dict:
    key = jax.random.key(seed)
    ks = jax.random.split(key, 5)
    x = jax.random.normal(ks[0], (2, 96, 224, 224), dtype=jnp.float32)
    Wg = jax.random.normal(ks[1], (96, E), dtype=jnp.float32) * 0.1
    bg = jnp.zeros((E,), dtype=jnp.float32)
    We = jax.random.normal(ks[2], (E, 96, 96), dtype=jnp.float32) * (1.0 / np.sqrt(96))
    be = jnp.zeros((E, 96), dtype=jnp.float32)
    return {"x": x, "Wg": Wg, "bg": bg, "We": We, "be": be}

if __name__ == "__main__":
    import jax
    _d = setup_inputs()
    print(jax.jit(kernel)(*tuple(_d.values())))

</pallas_src>

<mosaic_0001>
module attributes {stable_mosaic.version = 14 : i64} {
  func.func @_gate_kernel(%arg0: i32, %arg1: memref<1x289x96xf32, #tpu.memory_space<vmem>>, %arg2: memref<96x8xf32, #tpu.memory_space<vmem>>, %arg3: memref<1x8xf32, #tpu.memory_space<vmem>>, %arg4: memref<1x1x289xf32, #tpu.memory_space<vmem>>, %arg5: memref<1x1x289xi32, #tpu.memory_space<vmem>>) attributes {dimension_semantics = [#tpu.dimension_semantics<arbitrary>], iteration_bounds = array<i64: 2>, scalar_prefetch = 0 : i64, scratch_operands = 0 : i64, tpu.core_type = #tpu.core_type<tc>, window_params = [{transform_indices = @transform_0, window_bounds = array<i64: 1, 289, 96>}, {pipeline_mode = #tpu.pipeline_mode<synchronous>, transform_indices = @transform_1, window_bounds = array<i64: 96, 8>}, {pipeline_mode = #tpu.pipeline_mode<synchronous>, transform_indices = @transform_2, window_bounds = array<i64: 1, 8>}, {transform_indices = @transform_3, window_bounds = array<i64: 1, 1, 289>}, {transform_indices = @transform_4, window_bounds = array<i64: 1, 1, 289>}]} {
    %get3A = arith.constant 0 : index
    %get3A_0 = arith.constant 0 : index
    %get3A_1 = arith.constant 0 : index
    %get3A_2 = vector.load %arg1[%get3A, %get3A_0, %get3A_1] : memref<1x289x96xf32, #tpu.memory_space<vmem>>, vector<1x289x96xf32>
    %get3A_3 = vector.shape_cast %get3A_2 : vector<1x289x96xf32> to vector<289x96xf32>
    %get3A_4 = arith.constant 0 : index
    %get3A_5 = arith.constant 0 : index
    %get3A_6 = vector.load %arg2[%get3A_4, %get3A_5] : memref<96x8xf32, #tpu.memory_space<vmem>>, vector<96x8xf32>
    %dot_general3A = arith.constant dense<0.000000e+00> : vector<289x8xf32>
    %dot_general3A_7 = tpu.matmul %get3A_3, %get3A_6, %dot_general3A {dimension_numbers = #tpu.dot_dimension_numbers<[1], [0], [0], [1], [0, 0, 1, 1], [], []>, transpose_lhs_hint = false} : vector<289x96xf32>, vector<96x8xf32>, vector<289x8xf32> -> vector<289x8xf32>
    %get3A_8 = arith.constant 0 : index
    %get3A_9 = arith.constant 0 : index
    %get3A_10 = vector.load %arg3[%get3A_8, %get3A_9] : memref<1x8xf32, #tpu.memory_space<vmem>>, vector<1x8xf32>
    %add3A = vector.broadcast %get3A_10 : vector<1x8xf32> to vector<289x8xf32>
    %add3A_11 = arith.addf %dot_general3A_7, %add3A : vector<289x8xf32>
    %reduce_max3A = arith.constant dense<0xFF800000> : vector<289xf32>
    %reduce_max3A_12 = vector.multi_reduction <maximumf>, %add3A_11, %reduce_max3A [1] : vector<289x8xf32> to vector<289xf32>
    %broadcast_in_dim3A = vector.shape_cast %reduce_max3A_12 : vector<289xf32> to vector<289x1xf32>
    %sub3A = vector.broadcast %broadcast_in_dim3A : vector<289x1xf32> to vector<289x8xf32>
    %sub3A_13 = arith.subf %add3A_11, %sub3A : vector<289x8xf32>
    %exp3A = math.exp %sub3A_13 : vector<289x8xf32>
    %reduce_sum3A = arith.constant dense<0.000000e+00> : vector<289xf32>
    %reduce_sum3A_14 = vector.multi_reduction <add>, %exp3A, %reduce_sum3A [1] : vector<289x8xf32> to vector<289xf32>
    %div3A = arith.constant 1.000000e+00 : f32
    %div3A_15 = vector.broadcast %div3A : f32 to vector<289xf32>
    %div3A_16 = arith.divf %div3A_15, %reduce_sum3A_14 : vector<289xf32>
    %swap3A = arith.constant 0 : index
    %swap3A_17 = arith.constant 0 : index
    %swap3A_18 = arith.constant 0 : index
    %swap3A_19 = vector.load %arg4[%swap3A, %swap3A_17, %swap3A_18] : memref<1x1x289xf32, #tpu.memory_space<vmem>>, vector<1x1x289xf32>
    %swap3A_20 = vector.shape_cast %swap3A_19 : vector<1x1x289xf32> to vector<289xf32>
    %swap3A_21 = vector.shape_cast %div3A_16 : vector<289xf32> to vector<1x1x289xf32>
    tpu.vector_store %arg4[%swap3A, %swap3A_17, %swap3A_18], %swap3A_21 {strides = array<i32>} : memref<1x1x289xf32, #tpu.memory_space<vmem>>, vector<1x1x289xf32>,
    %argmax3A = tpu.reduce_index %add3A_11 {axis = 1 : i32, kind = #tpu.reduction_kind<arg_max>} : vector<289x8xf32> -> vector<289xi32>
    %swap3A_22 = arith.constant 0 : index
    %swap3A_23 = arith.constant 0 : index
    %swap3A_24 = arith.constant 0 : index
    %swap3A_25 = vector.load %arg5[%swap3A_22, %swap3A_23, %swap3A_24] : memref<1x1x289xi32, #tpu.memory_space<vmem>>, vector<1x1x289xi32>
    %swap3A_26 = vector.shape_cast %swap3A_25 : vector<1x1x289xi32> to vector<289xi32>
    %swap3A_27 = vector.shape_cast %argmax3A : vector<289xi32> to vector<1x1x289xi32>
    tpu.vector_store %arg5[%swap3A_22, %swap3A_23, %swap3A_24], %swap3A_27 {strides = array<i32>} : memref<1x1x289xi32, #tpu.memory_space<vmem>>, vector<1x1x289xi32>,
    return
  }
  func.func @transform_0(%arg0: i32) -> (i32, i32, i32) {
    %c0_i32 = arith.constant 0 : i32
    %c0_i32_0 = arith.constant 0 : i32
    %c0_i32_1 = arith.constant 0 : i32
    return %arg0, %c0_i32, %c0_i32_0 : i32, i32, i32
  }
  func.func @transform_1(%arg0: i32) -> (i32, i32) {
    %c0_i32 = arith.constant 0 : i32
    %c0_i32_0 = arith.constant 0 : i32
    %c0_i32_1 = arith.constant 0 : i32
    return %c0_i32, %c0_i32_0 : i32, i32
  }
  func.func @transform_2(%arg0: i32) -> (i32, i32) {
    %c0_i32 = arith.constant 0 : i32
    %c0_i32_0 = arith.constant 0 : i32
    %c0_i32_1 = arith.constant 0 : i32
    return %c0_i32, %c0_i32_0 : i32, i32
  }
  func.func @transform_3(%arg0: i32) -> (i32, i32, i32) {
    %c0_i32 = arith.constant 0 : i32
    %c0_i32_0 = arith.constant 0 : i32
    %c0_i32_1 = arith.constant 0 : i32
    return %arg0, %c0_i32, %c0_i32_0 : i32, i32, i32
  }
  func.func @transform_4(%arg0: i32) -> (i32, i32, i32) {
    %c0_i32 = arith.constant 0 : i32
    %c0_i32_0 = arith.constant 0 : i32
    %c0_i32_1 = arith.constant 0 : i32
    return %arg0, %c0_i32, %c0_i32_0 : i32, i32, i32
  }
}

module attributes {stable_mosaic.version = 14 : i64} {
  func.func @_patchify_kernel(%arg0: i32, %arg1: i32, %arg2: memref<1x16x224x224xf32, #tpu.memory_space<vmem>>, %arg3: memref<1x16x289x196xf32, #tpu.memory_space<vmem>>, %arg4: memref<1x16x17x17xf32, #tpu.memory_space<vmem>>) attributes {dimension_semantics = [#tpu.dimension_semantics<arbitrary>, #tpu.dimension_semantics<arbitrary>], iteration_bounds = array<i64: 2, 6>, scalar_prefetch = 0 : i64, scratch_operands = 0 : i64, tpu.core_type = #tpu.core_type<tc>, window_params = [{transform_indices = @transform_0, window_bounds = array<i64: 1, 16, 224, 224>}, {transform_indices = @transform_1, window_bounds = array<i64: 1, 16, 289, 196>}, {transform_indices = @transform_2, window_bounds = array<i64: 1, 16, 17, 17>}]} {
    %get3A = arith.constant 0 : index
    %get3A_0 = arith.constant 0 : index
    %get3A_1 = arith.constant 0 : index
    %get3A_2 = arith.constant 0 : index
    %get3A_3 = vector.load %arg2[%get3A, %get3A_0, %get3A_1, %get3A_2] : memref<1x16x224x224xf32, #tpu.memory_space<vmem>>, vector<1x16x224x224xf32>
    %get3A_4 = vector.shape_cast %get3A_3 : vector<1x16x224x224xf32> to vector<16x224x224xf32>
    %broadcast_in_dim3A = arith.constant 0.000000e+00 : f32
    %broadcast_in_dim3A_5 = vector.broadcast %broadcast_in_dim3A : f32 to vector<16x1x196xf32>
    %slice3A = vector.extract_strided_slice %get3A_4 {offsets = [0, 0, 0], sizes = [16, 14, 224], strides = [1, 1, 1]} : vector<16x224x224xf32> to vector<16x14x224xf32>
    %reshape3A = vector.shape_cast %slice3A : vector<16x14x224xf32> to vector<16x14x16x14xf32>
    %transpose3A = tpu.transpose %reshape3A, [0, 2, 1, 3] : vector<16x14x16x14xf32> -> vector<16x16x14x14xf32>
    %reshape3A_6 = vector.shape_cast %transpose3A : vector<16x16x14x14xf32> to vector<16x16x196xf32>
    %swap3A = arith.constant 0 : index
    %swap3A_7 = arith.constant 0 : index
    %swap3A_8 = arith.constant 0 : index
    %swap3A_9 = arith.constant 0 : index
    %swap3A_10 = vector.load %arg3[%swap3A, %swap3A_7, %swap3A_8, %swap3A_9] : memref<1x16x289x196xf32, #tpu.memory_space<vmem>>, vector<1x16x16x196xf32>
    %swap3A_11 = vector.shape_cast %swap3A_10 : vector<1x16x16x196xf32> to vector<16x16x196xf32>
    %swap3A_12 = vector.shape_cast %reshape3A_6 : vector<16x16x196xf32> to vector<1x16x16x196xf32>
    tpu.vector_store %arg3[%swap3A, %swap3A_7, %swap3A_8, %swap3A_9], %swap3A_12 {strides = array<i32>} : memref<1x16x289x196xf32, #tpu.memory_space<vmem>>, vector<1x16x16x196xf32>,
    %swap3A_13 = arith.constant 0 : index
    %swap3A_14 = arith.constant 0 : index
    %swap3A_15 = arith.constant 16 : index
    %swap3A_16 = arith.constant 0 : index
    %swap3A_17 = vector.load %arg3[%swap3A_13, %swap3A_14, %swap3A_15, %swap3A_16] : memref<1x16x289x196xf32, #tpu.memory_space<vmem>>, vector<1x16x1x196xf32>
    %swap3A_18 = vector.shape_cast %swap3A_17 : vector<1x16x1x196xf32> to vector<16x1x196xf32>
    %swap3A_19 = vector.shape_cast %broadcast_in_dim3A_5 : vector<16x1x196xf32> to vector<1x16x1x196xf32>
    tpu.vector_store %arg3[%swap3A_13, %swap3A_14, %swap3A_15, %swap3A_16], %swap3A_19 {strides = array<i32>} : memref<1x16x289x196xf32, #tpu.memory_space<vmem>>, vector<1x16x1x196xf32>,
    %slice3A_20 = vector.extract_strided_slice %get3A_4 {offsets = [0, 14, 0], sizes = [16, 14, 224], strides = [1, 1, 1]} : vector<16x224x224xf32> to vector<16x14x224xf32>
    %reshape3A_21 = vector.shape_cast %slice3A_20 : vector<16x14x224xf32> to vector<16x14x16x14xf32>
    %transpose3A_22 = tpu.transpose %reshape3A_21, [0, 2, 1, 3] : vector<16x14x16x14xf32> -> vector<16x16x14x14xf32>
    %reshape3A_23 = vector.shape_cast %transpose3A_22 : vector<16x16x14x14xf32> to vector<16x16x196xf32>
    %swap3A_24 = arith.constant 0 : index
    %swap3A_25 = arith.constant 0 : index
    %swap3A_26 = arith.constant 17 : index
    %swap3A_27 = arith.constant 0 : index
    %swap3A_28 = vector.load %arg3[%swap3A_24, %swap3A_25, %swap3A_26, %swap3A_27] : memref<1x16x289x196xf32, #tpu.memory_space<vmem>>, vector<1x16x16x196xf32>
    %swap3A_29 = vector.shape_cast %swap3A_28 : vector<1x16x16x196xf32> to vector<16x16x196xf32>
    %swap3A_30 = vector.shape_cast %reshape3A_23 : vector<16x16x196xf32> to vector<1x16x16x196xf32>
    tpu.vector_store %arg3[%swap3A_24, %swap3A_25, %swap3A_26, %swap3A_27], %swap3A_30 {strides = array<i32>} : memref<1x16x289x196xf32, #tpu.memory_space<vmem>>, vector<1x16x16x196xf32>,
    %swap3A_31 = arith.constant 0 : index
    %swap3A_32 = arith.constant 0 : index
    %swap3A_33 = arith.constant 33 : index
    %swap3A_34 = arith.constant 0 : index
    %swap3A_35 = vector.load %arg3[%swap3A_31, %swap3A_32, %swap3A_33, %swap3A_34] : memref<1x16x289x196xf32, #tpu.memory_space<vmem>>, vector<1x16x1x196xf32>
    %swap3A_36 = vector.shape_cast %swap3A_35 : vector<1x16x1x196xf32> to vector<16x1x196xf32>
    %swap3A_37 = vector.shape_cast %broadcast_in_dim3A_5 : vector<16x1x196xf32> to vector<1x16x1x196xf32>
    tpu.vector_store %arg3[%swap3A_31, %swap3A_32, %swap3A_33, %swap3A_34], %swap3A_37 {strides = array<i32>} : memref<1x16x289x196xf32, #tpu.memory_space<vmem>>, vector<1x16x1x196xf32>,
    %slice3A_38 = vector.extract_strided_slice %get3A_4 {offsets = [0, 28, 0], sizes = [16, 14, 224], strides = [1, 1, 1]} : vector<16x224x224xf32> to vector<16x14x224xf32>
    %reshape3A_39 = vector.shape_cast %slice3A_38 : vector<16x14x224xf32> to vector<16x14x16x14xf32>
    %transpose3A_40 = tpu.transpose %reshape3A_39, [0, 2, 1, 3] : vector<16x14x16x14xf32> -> vector<16x16x14x14xf32>
    %reshape3A_41 = vector.shape_cast %transpose3A_40 : vector<16x16x14x14xf32> to vector<16x16x196xf32>
    %swap3A_42 = arith.constant 0 : index
    %swap3A_43 = arith.constant 0 : index
    %swap3A_44 = arith.constant 34 : index
    %swap3A_45 = arith.constant 0 : index
    %swap3A_46 = vector.load %arg3[%swap3A_42, %swap3A_43, %swap3A_44, %swap3A_45] : memref<1x16x289x196xf32, #tpu.memory_space<vmem>>, vector<1x16x16x196xf32>
    %swap3A_47 = vector.shape_cast %swap3A_46 : vector<1x16x16x196xf32> to vector<16x16x196xf32>
    %swap3A_48 = vector.shape_cast %reshape3A_41 : vector<16x16x196xf32> to vector<1x16x16x196xf32>
    tpu.vector_store %arg3[%swap3A_42, %swap3A_43, %swap3A_44, %swap3A_45], %swap3A_48 {strides = array<i32>} : memref<1x16x289x196xf32, #tpu.memory_space<vmem>>, vector<1x16x16x196xf32>,
    %swap3A_49 = arith.constant 0 : index
    %swap3A_50 = arith.constant 0 : index
    %swap3A_51 = arith.constant 50 : index
    %swap3A_52 = arith.constant 0 : index
    %swap3A_53 = vector.load %arg3[%swap3A_49, %swap3A_50, %swap3A_51, %swap3A_52] : memref<1x16x289x196xf32, #tpu.memory_space<vmem>>, vector<1x16x1x196xf32>
    %swap3A_54 = vector.shape_cast %swap3A_53 : vector<1x16x1x196xf32> to vector<16x1x196xf32>
    %swap3A_55 = vector.shape_cast %broadcast_in_dim3A_5 : vector<16x1x196xf32> to vector<1x16x1x196xf32>
    tpu.vector_store %arg3[%swap3A_49, %swap3A_50, %swap3A_51, %swap3A_52], %swap3A_55 {strides = array<i32>} : memref<1x16x289x196xf32, #tpu.memory_space<vmem>>, vector<1x16x1x196xf32>,
    %slice3A_56 = vector.extract_strided_slice %get3A_4 {offsets = [0, 42, 0], sizes = [16, 14, 224], strides = [1, 1, 1]} : vector<16x224x224xf32> to vector<16x14x224xf32>
    %reshape3A_57 = vector.shape_cast %slice3A_56 : vector<16x14x224xf32> to vector<16x14x16x14xf32>
    %transpose3A_58 = tpu.transpose %reshape3A_57, [0, 2, 1, 3] : vector<16x14x16x14xf32> -> vector<16x16x14x14xf32>
    %reshape3A_59 = vector.shape_cast %transpose3A_58 : vector<16x16x14x14xf32> to vector<16x16x196xf32>
    %swap3A_60 = arith.constant 0 : index
    %swap3A_61 = arith.constant 0 : index
    %swap3A_62 = arith.constant 51 : index
    %swap3A_63 = arith.constant 0 : index
    %swap3A_64 = vector.load %arg3[%swap3A_60, %swap3A_61, %swap3A_62, %swap3A_63] : memref<1x16x289x196xf32, #tpu.memory_space<vmem>>, vector<1x16x16x196xf32>
    %swap3A_65 = vector.shape_cast %swap3A_64 : vector<1x16x16x196xf32> to vector<16x16x196xf32>
    %swap3A_66 = vector.shape_cast %reshape3A_59 : vector<16x16x196xf32> to vector<1x16x16x196xf32>
    tpu.vector_store %arg3[%swap3A_60, %swap3A_61, %swap3A_62, %swap3A_63], %swap3A_66 {strides = array<i32>} : memref<1x16x289x196xf32, #tpu.memory_space<vmem>>, vector<1x16x16x196xf32>,
    %swap3A_67 = arith.constant 0 : index
    %swap3A_68 = arith.constant 0 : index
    %swap3A_69 = arith.constant 67 : index
    %swap3A_70 = arith.constant 0 : index
    %swap3A_71 = vector.load %arg3[%swap3A_67, %swap3A_68, %swap3A_69, %swap3A_70] : memref<1x16x289x196xf32, #tpu.memory_space<vmem>>, vector<1x16x1x196xf32>
    %swap3A_72 = vector.shape_cast %swap3A_71 : vector<1x16x1x196xf32> to vector<16x1x196xf32>
    %swap3A_73 = vector.shape_cast %broadcast_in_dim3A_5 : vector<16x1x196xf32> to vector<1x16x1x196xf32>
    tpu.vector_store %arg3[%swap3A_67, %swap3A_68, %swap3A_69, %swap3A_70], %swap3A_73 {strides = array<i32>} : memref<1x16x289x196xf32, #tpu.memory_space<vmem>>, vector<1x16x1x196xf32>,
    %slice3A_74 = vector.extract_strided_slice %get3A_4 {offsets = [0, 56, 0], sizes = [16, 14, 224], strides = [1, 1, 1]} : vector<16x224x224xf32> to vector<16x14x224xf32>
    %reshape3A_75 = vector.shape_cast %slice3A_74 : vector<16x14x224xf32> to vector<16x14x16x14xf32>
    %transpose3A_76 = tpu.transpose %reshape3A_75, [0, 2, 1, 3] : vector<16x14x16x14xf32> -> vector<16x16x14x14xf32>
    %reshape3A_77 = vector.shape_cast %transpose3A_76 : vector<16x16x14x14xf32> to vector<16x16x196xf32>
    %swap3A_78 = arith.constant 0 : index
    %swap3A_79 = arith.constant 0 : index
    %swap3A_80 = arith.constant 68 : index
    %swap3A_81 = arith.constant 0 : index
    %swap3A_82 = vector.load %arg3[%swap3A_78, %swap3A_79, %swap3A_80, %swap3A_81] : memref<1x16x289x196xf32, #tpu.memory_space<vmem>>, vector<1x16x16x196xf32>
    %swap3A_83 = vector.shape_cast %swap3A_82 : vector<1x16x16x196xf32> to vector<16x16x196xf32>
    %swap3A_84 = vector.shape_cast %reshape3A_77 : vector<16x16x196xf32> to vector<1x16x16x196xf32>
    tpu.vector_store %arg3[%swap3A_78, %swap3A_79, %swap3A_80, %swap3A_81], %swap3A_84 {strides = array<i32>} : memref<1x16x289x196xf32, #tpu.memory_space<vmem>>, vector<1x16x16x196xf32>,
    %swap3A_85 = arith.constant 0 : index
    %swap3A_86 = arith.constant 0 : index
    %swap3A_87 = arith.constant 84 : index
    %swap3A_88 = arith.constant 0 : index
    %swap3A_89 = vector.load %arg3[%swap3A_85, %swap3A_86, %swap3A_87, %swap3A_88] : memref<1x16x289x196xf32, #tpu.memory_space<vmem>>, vector<1x16x1x196xf32>
    %swap3A_90 = vector.shape_cast %swap3A_89 : vector<1x16x1x196xf32> to vector<16x1x196xf32>
    %swap3A_91 = vector.shape_cast %broadcast_in_dim3A_5 : vector<16x1x196xf32> to vector<1x16x1x196xf32>
    tpu.vector_store %arg3[%swap3A_85, %swap3A_86, %swap3A_87, %swap3A_88], %swap3A_91 {strides = array<i32>} : memref<1x16x289x196xf32, #tpu.memory_space<vmem>>, vector<1x16x1x196xf32>,
    %slice3A_92 = vector.extract_strided_slice %get3A_4 {offsets = [0, 70, 0], sizes = [16, 14, 224], strides = [1, 1, 1]} : vector<16x224x224xf32> to vector<16x14x224xf32>
    %reshape3A_93 = vector.shape_cast %slice3A_92 : vector<16x14x224xf32> to vector<16x14x16x14xf32>
    %transpose3A_94 = tpu.transpose %reshape3A_93, [0, 2, 1, 3] : vector<16x14x16x14xf32> -> vector<16x16x14x14xf32>
    %reshape3A_95 = vector.shape_cast %transpose3A_94 : vector<16x16x14x14xf32> to vector<16x16x196xf32>
    %swap3A_96 = arith.constant 0 : index
    %swap3A_97 = arith.constant 0 : index
    %swap3A_98 = arith.constant 85 : index
    %swap3A_99 = arith.constant 0 : index
    %swap3A_100 = vector.load %arg3[%swap3A_96, %swap3A_97, %swap3A_98, %swap3A_99] : memref<1x16x289x196xf32, #tpu.memory_space<vmem>>, vector<1x16x16x196xf32>
    %swap3A_101 = vector.shape_cast %swap3A_100 : vector<1x16x16x196xf32> to vector<16x16x196xf32>
    %swap3A_102 = vector.shape_cast %reshape3A_95 : vector<16x16x196xf32> to vector<1x16x16x196xf32>
    tpu.vector_store %arg3[%swap3A_96, %swap3A_97, %swap3A_98, %swap3A_99], %swap3A_102 {strides = array<i32>} : memref<1x16x289x196xf32, #tpu.memory_space<vmem>>, vector<1x16x16x196xf32>,
    %swap3A_103 = arith.constant 0 : index
    %swap3A_104 = arith.constant 0 : index
    %swap3A_105 = arith.constant 101 : index
    %swap3A_106 = arith.constant 0 : index
    %swap3A_107 = vector.load %arg3[%swap3A_103, %swap3A_104, %swap3A_105, %swap3A_106] : memref<1x16x289x196xf32, #tpu.memory_space<vmem>>, vector<1x16x1x196xf32>
    %swap3A_108 = vector.shape_cast %swap3A_107 : vector<1x16x1x196xf32> to vector<16x1x196xf32>
    %swap3A_109 = vector.shape_cast %broadcast_in_dim3A_5 : vector<16x1x196xf32> to vector<1x16x1x196xf32>
    tpu.vector_store %arg3[%swap3A_103, %swap3A_104, %swap3A_105, %swap3A_106], %swap3A_109 {strides = array<i32>} : memref<1x16x289x196xf32, #tpu.memory_space<vmem>>, vector<1x16x1x196xf32>,
    %slice3A_110 = vector.extract_strided_slice %get3A_4 {offsets = [0, 84, 0], sizes = [16, 14, 224], strides = [1, 1, 1]} : vector<16x224x224xf32> to vector<16x14x224xf32>
    %reshape3A_111 = vector.shape_cast %slice3A_110 : vector<16x14x224xf32> to vector<16x14x16x14xf32>
    %transpose3A_112 = tpu.transpose %reshape3A_111, [0, 2, 1, 3] : vector<16x14x16x14xf32> -> vector<16x16x14x14xf32>
    %reshape3A_113 = vector.shape_cast %transpose3A_112 : vector<16x16x14x14xf32> to vector<16x16x196xf32>
    %swap3A_114 = arith.constant 0 : index
    %swap3A_115 = arith.constant 0 : index
    %swap3A_116 = arith.constant 102 : index
    %swap3A_117 = arith.constant 0 : index
    %swap3A_118 = vector.load %arg3[%swap3A_114, %swap3A_115, %swap3A_116, %swap3A_117] : memref<1x16x289x196xf32, #tpu.memory_space<vmem>>, vector<1x16x16x196xf32>
    %swap3A_119 = vector.shape_cast %swap3A_118 : vector<1x16x16x196xf32> to vector<16x16x196xf32>
    %swap3A_120 = vector.shape_cast %reshape3A_113 : vector<16x16x196xf32> to vector<1x16x16x196xf32>
    tpu.vector_store %arg3[%swap3A_114, %swap3A_115, %swap3A_116, %swap3A_117], %swap3A_120 {strides = array<i32>} : memref<1x16x289x196xf32, #tpu.memory_space<vmem>>, vector<1x16x16x196xf32>,
    %swap3A_121 = arith.constant 0 : index
    %swap3A_122 = arith.constant 0 : index
    %swap3A_123 = arith.constant 118 : index
    %swap3A_124 = arith.constant 0 : index
    %swap3A_125 = vector.load %arg3[%swap3A_121, %swap3A_122, %swap3A_123, %swap3A_124] : memref<1x16x289x196xf32, #tpu.memory_space<vmem>>, vector<1x16x1x196xf32>
    %swap3A_126 = vector.shape_cast %swap3A_125 : vector<1x16x1x196xf32> to vector<16x1x196xf32>
    %swap3A_127 = vector.shape_cast %broadcast_in_dim3A_5 : vector<16x1x196xf32> to vector<1x16x1x196xf32>
    tpu.vector_store %arg3[%swap3A_121, %swap3A_122, %swap3A_123, %swap3A_124], %swap3A_127 {strides = array<i32>} : memref<1x16x289x196xf32, #tpu.memory_space<vmem>>, vector<1x16x1x196xf32>,
    %slice3A_128 = vector.extract_strided_slice %get3A_4 {offsets = [0, 98, 0], sizes = [16, 14, 224], strides = [1, 1, 1]} : vector<16x224x224xf32> to vector<16x14x224xf32>
    %reshape3A_129 = vector.shape_cast %slice3A_128 : vector<16x14x224xf32> to vector<16x14x16x14xf32>
    %transpose3A_130 = tpu.transpose %reshape3A_129, [0, 2, 1, 3] : vector<16x14x16x14xf32> -> vector<16x16x14x14xf32>
    %reshape3A_131 = vector.shape_cast %transpose3A_130 : vector<16x16x14x14xf32> to vector<16x16x196xf32>
    %swap3A_132 = arith.constant 0 : index
    %swap3A_133 = arith.constant 0 : index
    %swap3A_134 = arith.constant 119 : index
    %swap3A_135 = arith.constant 0 : index
    %swap3A_136 = vector.load %arg3[%swap3A_132, %swap3A_133, %swap3A_134, %swap3A_135] : memref<1x16x289x196xf32, #tpu.memory_space<vmem>>, vector<1x16x16x196xf32>
    %swap3A_137 = vector.shape_cast %swap3A_136 : vector<1x16x16x196xf32> to vector<16x16x196xf32>
    %swap3A_138 = vector.shape_cast %reshape3A_131 : vector<16x16x196xf32> to vector<1x16x16x196xf32>
    tpu.vector_store %arg3[%swap3A_132, %swap3A_133, %swap3A_134, %swap3A_135], %swap3A_138 {strides = array<i32>} : memref<1x16x289x196xf32, #tpu.memory_space<vmem>>, vector<1x16x16x196xf32>,
    %swap3A_139 = arith.constant 0 : index
    %swap3A_140 = arith.constant 0 : index
    %swap3A_141 = arith.constant 135 : index
    %swap3A_142 = arith.constant 0 : index
    %swap3A_143 = vector.load %arg3[%swap3A_139, %swap3A_140, %swap3A_141, %swap3A_142] : memref<1x16x289x196xf32, #tpu.memory_space<vmem>>, vector<1x16x1x196xf32>
    %swap3A_144 = vector.shape_cast %swap3A_143 : vector<1x16x1x196xf32> to vector<16x1x196xf32>
    %swap3A_145 = vector.shape_cast %broadcast_in_dim3A_5 : vector<16x1x196xf32> to vector<1x16x1x196xf32>
    tpu.vector_store %arg3[%swap3A_139, %swap3A_140, %swap3A_141, %swap3A_142], %swap3A_145 {strides = array<i32>} : memref<1x16x289x196xf32, #tpu.memory_space<vmem>>, vector<1x16x1x196xf32>,
    %slice3A_146 = vector.extract_strided_slice %get3A_4 {offsets = [0, 112, 0], sizes = [16, 14, 224], strides = [1, 1, 1]} : vector<16x224x224xf32> to vector<16x14x224xf32>
    %reshape3A_147 = vector.shape_cast %slice3A_146 : vector<16x14x224xf32> to vector<16x14x16x14xf32>
    %transpose3A_148 = tpu.transpose %reshape3A_147, [0, 2, 1, 3] : vector<16x14x16x14xf32> -> vector<16x16x14x14xf32>
    %reshape3A_149 = vector.shape_cast %transpose3A_148 : vector<16x16x14x14xf32> to vector<16x16x196xf32>
    %swap3A_150 = arith.constant 0 : index
    %swap3A_151 = arith.constant 0 : index
    %swap3A_152 = arith.constant 136 : index
    %swap3A_153 = arith.constant 0 : index
    %swap3A_154 = vector.load %arg3[%swap3A_150, %swap3A_151, %swap3A_152, %swap3A_153] : memref<1x16x289x196xf32, #tpu.memory_space<vmem>>, vector<1x16x16x196xf32>
    %swap3A_155 = vector.shape_cast %swap3A_154 : vector<1x16x16x196xf32> to vector<16x16x196xf32>
    %swap3A_156 = vector.shape_cast %reshape3A_149 : vector<16x16x196xf32> to vector<1x16x16x196xf32>
    tpu.vector_store %arg3[%swap3A_150, %swap3A_151, %swap3A_152, %swap3A_153], %swap3A_156 {strides = array<i32>} : memref<1x16x289x196xf32, #tpu.memory_space<vmem>>, vector<1x16x16x196xf32>,
    %swap3A_157 = arith.constant 0 : index
    %swap3A_158 = arith.constant 0 : index
    %swap3A_159 = arith.constant 152 : index
    %swap3A_160 = arith.constant 0 : index
    %swap3A_161 = vector.load %arg3[%swap3A_157, %swap3A_158, %swap3A_159, %swap3A_160] : memref<1x16x289x196xf32, #tpu.memory_space<vmem>>, vector<1x16x1x196xf32>
    %swap3A_162 = vector.shape_cast %swap3A_161 : vector<1x16x1x196xf32> to vector<16x1x196xf32>
    %swap3A_163 = vector.shape_cast %broadcast_in_dim3A_5 : vector<16x1x196xf32> to vector<1x16x1x196xf32>
    tpu.vector_store %arg3[%swap3A_157, %swap3A_158, %swap3A_159, %swap3A_160], %swap3A_163 {strides = array<i32>} : memref<1x16x289x196xf32, #tpu.memory_space<vmem>>, vector<1x16x1x196xf32>,
    %slice3A_164 = vector.extract_strided_slice %get3A_4 {offsets = [0, 126, 0], sizes = [16, 14, 224], strides = [1, 1, 1]} : vector<16x224x224xf32> to vector<16x14x224xf32>
    %reshape3A_165 = vector.shape_cast %slice3A_164 : vector<16x14x224xf32> to vector<16x14x16x14xf32>
    %transpose3A_166 = tpu.transpose %reshape3A_165, [0, 2, 1, 3] : vector<16x14x16x14xf32> -> vector<16x16x14x14xf32>
    %reshape3A_167 = vector.shape_cast %transpose3A_166 : vector<16x16x14x14xf32> to vector<16x16x196xf32>
    %swap3A_168 = arith.constant 0 : index
    %swap3A_169 = arith.constant 0 : index
    %swap3A_170 = arith.constant 153 : index
    %swap3A_171 = arith.constant 0 : index
    %swap3A_172 = vector.load %arg3[%swap3A_168, %swap3A_169, %swap3A_170, %swap3A_171] : memref<1x16x289x196xf32, #tpu.memory_space<vmem>>, vector<1x16x16x196xf32>
    %swap3A_173 = vector.shape_cast %swap3A_172 : vector<1x16x16x196xf32> to vector<16x16x196xf32>
    %swap3A_174 = vector.shape_cast %reshape3A_167 : vector<16x16x196xf32> to vector<1x16x16x196xf32>
    tpu.vector_store %arg3[%swap3A_168, %swap3A_169, %swap3A_170, %swap3A_171], %swap3A_174 {strides = array<i32>} : memref<1x16x289x196xf32, #tpu.memory_space<vmem>>, vector<1x16x16x196xf32>,
    %swap3A_175 = arith.constant 0 : index
    %swap3A_176 = arith.constant 0 : index
    %swap3A_177 = arith.constant 169 : index
    %swap3A_178 = arith.constant 0 : index
    %swap3A_179 = vector.load %arg3[%swap3A_175, %swap3A_176, %swap3A_177, %swap3A_178] : memref<1x16x289x196xf32, #tpu.memory_space<vmem>>, vector<1x16x1x196xf32>
    %swap3A_180 = vector.shape_cast %swap3A_179 : vector<1x16x1x196xf32> to vector<16x1x196xf32>
    %swap3A_181 = vector.shape_cast %broadcast_in_dim3A_5 : vector<16x1x196xf32> to vector<1x16x1x196xf32>
    tpu.vector_store %arg3[%swap3A_175, %swap3A_176, %swap3A_177, %swap3A_178], %swap3A_181 {strides = array<i32>} : memref<1x16x289x196xf32, #tpu.memory_space<vmem>>, vector<1x16x1x196xf32>,
    %slice3A_182 = vector.extract_strided_slice %get3A_4 {offsets = [0, 140, 0], sizes = [16, 14, 224], strides = [1, 1, 1]} : vector<16x224x224xf32> to vector<16x14x224xf32>
    %reshape3A_183 = vector.shape_cast %slice3A_182 : vector<16x14x224xf32> to vector<16x14x16x14xf32>
    %transpose3A_184 = tpu.transpose %reshape3A_183, [0, 2, 1, 3] : vector<16x14x16x14xf32> -> vector<16x16x14x14xf32>
    %reshape3A_185 = vector.shape_cast %transpose3A_184 : vector<16x16x14x14xf32> to vector<16x16x196xf32>
    %swap3A_186 = arith.constant 0 : index
    %swap3A_187 = arith.constant 0 : index
    %swap3A_188 = arith.constant 170 : index
    %swap3A_189 = arith.constant 0 : index
    %swap3A_190 = vector.load %arg3[%swap3A_186, %swap3A_187, %swap3A_188, %swap3A_189] : memref<1x16x289x196xf32, #tpu.memory_space<vmem>>, vector<1x16x16x196xf32>
    %swap3A_191 = vector.shape_cast %swap3A_190 : vector<1x16x16x196xf32> to vector<16x16x196xf32>
    %swap3A_192 = vector.shape_cast %reshape3A_185 : vector<16x16x196xf32> to vector<1x16x16x196xf32>
    tpu.vector_store %arg3[%swap3A_186, %swap3A_187, %swap3A_188, %swap3A_189], %swap3A_192 {strides = array<i32>} : memref<1x16x289x196xf32, #tpu.memory_space<vmem>>, vector<1x16x16x196xf32>,
    %swap3A_193 = arith.constant 0 : index
    %swap3A_194 = arith.constant 0 : index
    %swap3A_195 = arith.constant 186 : index
    %swap3A_196 = arith.constant 0 : index
    %swap3A_197 = vector.load %arg3[%swap3A_193, %swap3A_194, %swap3A_195, %swap3A_196] : memref<1x16x289x196xf32, #tpu.memory_space<vmem>>, vector<1x16x1x196xf32>
    %swap3A_198 = vector.shape_cast %swap3A_197 : vector<1x16x1x196xf32> to vector<16x1x196xf32>
    %swap3A_199 = vector.shape_cast %broadcast_in_dim3A_5 : vector<16x1x196xf32> to vector<1x16x1x196xf32>
    tpu.vector_store %arg3[%swap3A_193, %swap3A_194, %swap3A_195, %swap3A_196], %swap3A_199 {strides = array<i32>} : memref<1x16x289x196xf32, #tpu.memory_space<vmem>>, vector<1x16x1x196xf32>,
    %slice3A_200 = vector.extract_strided_slice %get3A_4 {offsets = [0, 154, 0], sizes = [16, 14, 224], strides = [1, 1, 1]} : vector<16x224x224xf32> to vector<16x14x224xf32>
    %reshape3A_201 = vector.shape_cast %slice3A_200 : vector<16x14x224xf32> to vector<16x14x16x14xf32>
    %transpose3A_202 = tpu.transpose %reshape3A_201, [0, 2, 1, 3] : vector<16x14x16x14xf32> -> vector<16x16x14x14xf32>
    %reshape3A_203 = vector.shape_cast %transpose3A_202 : vector<16x16x14x14xf32> to vector<16x16x196xf32>
    %swap3A_204 = arith.constant 0 : index
    %swap3A_205 = arith.constant 0 : index
    %swap3A_206 = arith.constant 187 : index
    %swap3A_207 = arith.constant 0 : index
    %swap3A_208 = vector.load %arg3[%swap3A_204, %swap3A_205, %swap3A_206, %swap3A_207] : memref<1x16x289x196xf32, #tpu.memory_space<vmem>>, vector<1x16x16x196xf32>
    %swap3A_209 = vector.shape_cast %swap3A_208 : vector<1x16x16x196xf32> to vector<16x16x196xf32>
    %swap3A_210 = vector.shape_cast %reshape3A_203 : vector<16x16x196xf32> to vector<1x16x16x196xf32>
    tpu.vector_store %arg3[%swap3A_204, %swap3A_205, %swap3A_206, %swap3A_207], %swap3A_210 {strides = array<i32>} : memref<1x16x289x196xf32, #tpu.memory_space<vmem>>, vector<1x16x16x196xf32>,
    %swap3A_211 = arith.constant 0 : index
    %swap3A_212 = arith.constant 0 : index
    %swap3A_213 = arith.constant 203 : index
    %swap3A_214 = arith.constant 0 : index
    %swap3A_215 = vector.load %arg3[%swap3A_211, %swap3A_212, %swap3A_213, %swap3A_214] : memref<1x16x289x196xf32, #tpu.memory_space<vmem>>, vector<1x16x1x196xf32>
    %swap3A_216 = vector.shape_cast %swap3A_215 : vector<1x16x1x196xf32> to vector<16x1x196xf32>
    %swap3A_217 = vector.shape_cast %broadcast_in_dim3A_5 : vector<16x1x196xf32> to vector<1x16x1x196xf32>
    tpu.vector_store %arg3[%swap3A_211, %swap3A_212, %swap3A_213, %swap3A_214], %swap3A_217 {strides = array<i32>} : memref<1x16x289x196xf32, #tpu.memory_space<vmem>>, vector<1x16x1x196xf32>,
    %slice3A_218 = vector.extract_strided_slice %get3A_4 {offsets = [0, 168, 0], sizes = [16, 14, 224], strides = [1, 1, 1]} : vector<16x224x224xf32> to vector<16x14x224xf32>
    %reshape3A_219 = vector.shape_cast %slice3A_218 : vector<16x14x224xf32> to vector<16x14x16x14xf32>
    %transpose3A_220 = tpu.transpose %reshape3A_219, [0, 2, 1, 3] : vector<16x14x16x14xf32> -> vector<16x16x14x14xf32>
    %reshape3A_221 = vector.shape_cast %transpose3A_220 : vector<16x16x14x14xf32> to vector<16x16x196xf32>
    %swap3A_222 = arith.constant 0 : index
    %swap3A_223 = arith.constant 0 : index
    %swap3A_224 = arith.constant 204 : index
    %swap3A_225 = arith.constant 0 : index
    %swap3A_226 = vector.load %arg3[%swap3A_222, %swap3A_223, %swap3A_224, %swap3A_225] : memref<1x16x289x196xf32, #tpu.memory_space<vmem>>, vector<1x16x16x196xf32>
    %swap3A_227 = vector.shape_cast %swap3A_226 : vector<1x16x16x196xf32> to vector<16x16x196xf32>
    %swap3A_228 = vector.shape_cast %reshape3A_221 : vector<16x16x196xf32> to vector<1x16x16x196xf32>
    tpu.vector_store %arg3[%swap3A_222, %swap3A_223, %swap3A_224, %swap3A_225], %swap3A_228 {strides = array<i32>} : memref<1x16x289x196xf32, #tpu.memory_space<vmem>>, vector<1x16x16x196xf32>,
    %swap3A_229 = arith.constant 0 : index
    %swap3A_230 = arith.constant 0 : index
    %swap3A_231 = arith.constant 220 : index
    %swap3A_232 = arith.constant 0 : index
    %swap3A_233 = vector.load %arg3[%swap3A_229, %swap3A_230, %swap3A_231, %swap3A_232] : memref<1x16x289x196xf32, #tpu.memory_space<vmem>>, vector<1x16x1x196xf32>
    %swap3A_234 = vector.shape_cast %swap3A_233 : vector<1x16x1x196xf32> to vector<16x1x196xf32>
    %swap3A_235 = vector.shape_cast %broadcast_in_dim3A_5 : vector<16x1x196xf32> to vector<1x16x1x196xf32>
    tpu.vector_store %arg3[%swap3A_229, %swap3A_230, %swap3A_231, %swap3A_232], %swap3A_235 {strides = array<i32>} : memref<1x16x289x196xf32, #tpu.memory_space<vmem>>, vector<1x16x1x196xf32>,
    %slice3A_236 = vector.extract_strided_slice %get3A_4 {offsets = [0, 182, 0], sizes = [16, 14, 224], strides = [1, 1, 1]} : vector<16x224x224xf32> to vector<16x14x224xf32>
    %reshape3A_237 = vector.shape_cast %slice3A_236 : vector<16x14x224xf32> to vector<16x14x16x14xf32>
    %transpose3A_238 = tpu.transpose %reshape3A_237, [0, 2, 1, 3] : vector<16x14x16x14xf32> -> vector<16x16x14x14xf32>
    %reshape3A_239 = vector.shape_cast %transpose3A_238 : vector<16x16x14x14xf32> to vector<16x16x196xf32>
    %swap3A_240 = arith.constant 0 : index
    %swap3A_241 = arith.constant 0 : index
    %swap3A_242 = arith.constant 221 : index
    %swap3A_243 = arith.constant 0 : index
    %swap3A_244 = vector.load %arg3[%swap3A_240, %swap3A_241, %swap3A_242, %swap3A_243] : memref<1x16x289x196xf32, #tpu.memory_space<vmem>>, vector<1x16x16x196xf32>
    %swap3A_245 = vector.shape_cast %swap3A_244 : vector<1x16x16x196xf32> to vector<16x16x196xf32>
    %swap3A_246 = vector.shape_cast %reshape3A_239 : vector<16x16x196xf32> to vector<1x16x16x196xf32>
    tpu.vector_store %arg3[%swap3A_240, %swap3A_241, %swap3A_242, %swap3A_243], %swap3A_246 {strides = array<i32>} : memref<1x16x289x196xf32, #tpu.memory_space<vmem>>, vector<1x16x16x196xf32>,
    %swap3A_247 = arith.constant 0 : index
    %swap3A_248 = arith.constant 0 : index
    %swap3A_249 = arith.constant 237 : index
    %swap3A_250 = arith.constant 0 : index
    %swap3A_251 = vector.load %arg3[%swap3A_247, %swap3A_248, %swap3A_249, %swap3A_250] : memref<1x16x289x196xf32, #tpu.memory_space<vmem>>, vector<1x16x1x196xf32>
    %swap3A_252 = vector.shape_cast %swap3A_251 : vector<1x16x1x196xf32> to vector<16x1x196xf32>
    %swap3A_253 = vector.shape_cast %broadcast_in_dim3A_5 : vector<16x1x196xf32> to vector<1x16x1x196xf32>
    tpu.vector_store %arg3[%swap3A_247, %swap3A_248, %swap3A_249, %swap3A_250], %swap3A_253 {strides = array<i32>} : memref<1x16x289x196xf32, #tpu.memory_space<vmem>>, vector<1x16x1x196xf32>,
    %slice3A_254 = vector.extract_strided_slice %get3A_4 {offsets = [0, 196, 0], sizes = [16, 14, 224], strides = [1, 1, 1]} : vector<16x224x224xf32> to vector<16x14x224xf32>
    %reshape3A_255 = vector.shape_cast %slice3A_254 : vector<16x14x224xf32> to vector<16x14x16x14xf32>
    %transpose3A_256 = tpu.transpose %reshape3A_255, [0, 2, 1, 3] : vector<16x14x16x14xf32> -> vector<16x16x14x14xf32>
    %reshape3A_257 = vector.shape_cast %transpose3A_256 : vector<16x16x14x14xf32> to vector<16x16x196xf32>
    %swap3A_258 = arith.constant 0 : index
    %swap3A_259 = arith.constant 0 : index
    %swap3A_260 = arith.constant 238 : index
    %swap3A_261 = arith.constant 0 : index
    %swap3A_262 = vector.load %arg3[%swap3A_258, %swap3A_259, %swap3A_260, %swap3A_261] : memref<1x16x289x196xf32, #tpu.memory_space<vmem>>, vector<1x16x16x196xf32>
    %swap3A_263 = vector.shape_cast %swap3A_262 : vector<1x16x16x196xf32> to vector<16x16x196xf32>
    %swap3A_264 = vector.shape_cast %reshape3A_257 : vector<16x16x196xf32> to vector<1x16x16x196xf32>
    tpu.vector_store %arg3[%swap3A_258, %swap3A_259, %swap3A_260, %swap3A_261], %swap3A_264 {strides = array<i32>} : memref<1x16x289x196xf32, #tpu.memory_space<vmem>>, vector<1x16x16x196xf32>,
    %swap3A_265 = arith.constant 0 : index
    %swap3A_266 = arith.constant 0 : index
    %swap3A_267 = arith.constant 254 : index
    %swap3A_268 = arith.constant 0 : index
    %swap3A_269 = vector.load %arg3[%swap3A_265, %swap3A_266, %swap3A_267, %swap3A_268] : memref<1x16x289x196xf32, #tpu.memory_space<vmem>>, vector<1x16x1x196xf32>
    %swap3A_270 = vector.shape_cast %swap3A_269 : vector<1x16x1x196xf32> to vector<16x1x196xf32>
    %swap3A_271 = vector.shape_cast %broadcast_in_dim3A_5 : vector<16x1x196xf32> to vector<1x16x1x196xf32>
    tpu.vector_store %arg3[%swap3A_265, %swap3A_266, %swap3A_267, %swap3A_268], %swap3A_271 {strides = array<i32>} : memref<1x16x289x196xf32, #tpu.memory_space<vmem>>, vector<1x16x1x196xf32>,
    %slice3A_272 = vector.extract_strided_slice %get3A_4 {offsets = [0, 210, 0], sizes = [16, 14, 224], strides = [1, 1, 1]} : vector<16x224x224xf32> to vector<16x14x224xf32>
    %reshape3A_273 = vector.shape_cast %slice3A_272 : vector<16x14x224xf32> to vector<16x14x16x14xf32>
    %transpose3A_274 = tpu.transpose %reshape3A_273, [0, 2, 1, 3] : vector<16x14x16x14xf32> -> vector<16x16x14x14xf32>
    %reshape3A_275 = vector.shape_cast %transpose3A_274 : vector<16x16x14x14xf32> to vector<16x16x196xf32>
    %swap3A_276 = arith.constant 0 : index
    %swap3A_277 = arith.constant 0 : index
    %swap3A_278 = arith.constant 255 : index
    %swap3A_279 = arith.constant 0 : index
    %swap3A_280 = vector.load %arg3[%swap3A_276, %swap3A_277, %swap3A_278, %swap3A_279] : memref<1x16x289x196xf32, #tpu.memory_space<vmem>>, vector<1x16x16x196xf32>
    %swap3A_281 = vector.shape_cast %swap3A_280 : vector<1x16x16x196xf32> to vector<16x16x196xf32>
    %swap3A_282 = vector.shape_cast %reshape3A_275 : vector<16x16x196xf32> to vector<1x16x16x196xf32>
    tpu.vector_store %arg3[%swap3A_276, %swap3A_277, %swap3A_278, %swap3A_279], %swap3A_282 {strides = array<i32>} : memref<1x16x289x196xf32, #tpu.memory_space<vmem>>, vector<1x16x16x196xf32>,
    %swap3A_283 = arith.constant 0 : index
    %swap3A_284 = arith.constant 0 : index
    %swap3A_285 = arith.constant 271 : index
    %swap3A_286 = arith.constant 0 : index
    %swap3A_287 = vector.load %arg3[%swap3A_283, %swap3A_284, %swap3A_285, %swap3A_286] : memref<1x16x289x196xf32, #tpu.memory_space<vmem>>, vector<1x16x1x196xf32>
    %swap3A_288 = vector.shape_cast %swap3A_287 : vector<1x16x1x196xf32> to vector<16x1x196xf32>
    %swap3A_289 = vector.shape_cast %broadcast_in_dim3A_5 : vector<16x1x196xf32> to vector<1x16x1x196xf32>
    tpu.vector_store %arg3[%swap3A_283, %swap3A_284, %swap3A_285, %swap3A_286], %swap3A_289 {strides = array<i32>} : memref<1x16x289x196xf32, #tpu.memory_space<vmem>>, vector<1x16x1x196xf32>,
    %broadcast_in_dim3A_290 = arith.constant 0.000000e+00 : f32
    %broadcast_in_dim3A_291 = vector.broadcast %broadcast_in_dim3A_290 : f32 to vector<16x17x196xf32>
    %swap3A_292 = arith.constant 0 : index
    %swap3A_293 = arith.constant 0 : index
    %swap3A_294 = arith.constant 272 : index
    %swap3A_295 = arith.constant 0 : index
    %swap3A_296 = vector.load %arg3[%swap3A_292, %swap3A_293, %swap3A_294, %swap3A_295] : memref<1x16x289x196xf32, #tpu.memory_space<vmem>>, vector<1x16x17x196xf32>
    %swap3A_297 = vector.shape_cast %swap3A_296 : vector<1x16x17x196xf32> to vector<16x17x196xf32>
    %swap3A_298 = vector.shape_cast %broadcast_in_dim3A_291 : vector<16x17x196xf32> to vector<1x16x17x196xf32>
    tpu.vector_store %arg3[%swap3A_292, %swap3A_293, %swap3A_294, %swap3A_295], %swap3A_298 {strides = array<i32>} : memref<1x16x289x196xf32, #tpu.memory_space<vmem>>, vector<1x16x17x196xf32>,
    %reshape3A_299 = vector.shape_cast %get3A_4 : vector<16x224x224xf32> to vector<16x16x14x224xf32>
    %reduce_sum3A = arith.constant dense<0.000000e+00> : vector<16x16x224xf32>
    %reduce_sum3A_300 = vector.multi_reduction <add>, %reshape3A_299, %reduce_sum3A [2] : vector<16x16x14x224xf32> to vector<16x16x224xf32>
    %broadcast_in_dim3A_301 = arith.constant 0.000000e+00 : f32
    %broadcast_in_dim3A_302 = vector.broadcast %broadcast_in_dim3A_301 : f32 to vector<16x1x224xf32>
    %broadcast_in_dim3A_303 = arith.constant 0.000000e+00 : f32
    %broadcast_in_dim3A_304 = vector.broadcast %broadcast_in_dim3A_303 : f32 to vector<16x2x224xf32>
    %concatenate3A = tpu.concatenate %reduce_sum3A_300, %broadcast_in_dim3A_302 in 1 : vector<16x16x224xf32>, vector<16x1x224xf32> -> vector<16x17x224xf32>
    %slice3A_305 = vector.extract_strided_slice %reshape3A_299 {offsets = [0, 0, 13, 0], sizes = [16, 16, 1, 224], strides = [1, 1, 1, 1]} : vector<16x16x14x224xf32> to vector<16x16x1x224xf32>
    %squeeze3A = vector.shape_cast %slice3A_305 : vector<16x16x1x224xf32> to vector<16x16x224xf32>
    %concatenate3A_306 = tpu.concatenate %broadcast_in_dim3A_302, %squeeze3A in 1 : vector<16x1x224xf32>, vector<16x16x224xf32> -> vector<16x17x224xf32>
    %add3A = arith.addf %concatenate3A, %concatenate3A_306 : vector<16x17x224xf32>
    %slice3A_307 = vector.extract_strided_slice %reshape3A_299 {offsets = [0, 1, 0, 0], sizes = [16, 15, 1, 224], strides = [1, 1, 1, 1]} : vector<16x16x14x224xf32> to vector<16x15x1x224xf32>
    %squeeze3A_308 = vector.shape_cast %slice3A_307 : vector<16x15x1x224xf32> to vector<16x15x224xf32>
    %concatenate3A_309 = tpu.concatenate %squeeze3A_308, %broadcast_in_dim3A_304 in 1 : vector<16x15x224xf32>, vector<16x2x224xf32> -> vector<16x17x224xf32>
    %add3A_310 = arith.addf %add3A, %concatenate3A_309 : vector<16x17x224xf32>
    %reshape3A_311 = vector.shape_cast %add3A_310 : vector<16x17x224xf32> to vector<16x17x16x14xf32>
    %reduce_sum3A_312 = arith.constant dense<0.000000e+00> : vector<16x17x16xf32>
    %reduce_sum3A_313 = vector.multi_reduction <add>, %reshape3A_311, %reduce_sum3A_312 [3] : vector<16x17x16x14xf32> to vector<16x17x16xf32>
    %broadcast_in_dim3A_314 = arith.constant 0.000000e+00 : f32
    %broadcast_in_dim3A_315 = vector.broadcast %broadcast_in_dim3A_314 : f32 to vector<16x17x1xf32>
    %broadcast_in_dim3A_316 = arith.constant 0.000000e+00 : f32
    %broadcast_in_dim3A_317 = vector.broadcast %broadcast_in_dim3A_316 : f32 to vector<16x17x2xf32>
    %concatenate3A_318 = tpu.concatenate %reduce_sum3A_313, %broadcast_in_dim3A_315 in 2 : vector<16x17x16xf32>, vector<16x17x1xf32> -> vector<16x17x17xf32>
    %slice3A_319 = vector.extract_strided_slice %reshape3A_311 {offsets = [0, 0, 0, 13], sizes = [16, 17, 16, 1], strides = [1, 1, 1, 1]} : vector<16x17x16x14xf32> to vector<16x17x16x1xf32>
    %squeeze3A_320 = vector.shape_cast %slice3A_319 : vector<16x17x16x1xf32> to vector<16x17x16xf32>
    %concatenate3A_321 = tpu.concatenate %broadcast_in_dim3A_315, %squeeze3A_320 in 2 : vector<16x17x1xf32>, vector<16x17x16xf32> -> vector<16x17x17xf32>
    %add3A_322 = arith.addf %concatenate3A_318, %concatenate3A_321 : vector<16x17x17xf32>
    %slice3A_323 = vector.extract_strided_slice %reshape3A_311 {offsets = [0, 0, 1, 0], sizes = [16, 17, 15, 1], strides = [1, 1, 1, 1]} : vector<16x17x16x14xf32> to vector<16x17x15x1xf32>
    %squeeze3A_324 = vector.shape_cast %slice3A_323 : vector<16x17x15x1xf32> to vector<16x17x15xf32>
    %concatenate3A_325 = tpu.concatenate %squeeze3A_324, %broadcast_in_dim3A_317 in 2 : vector<16x17x15xf32>, vector<16x17x2xf32> -> vector<16x17x17xf32>
    %add3A_326 = arith.addf %add3A_322, %concatenate3A_325 : vector<16x17x17xf32>
    %mul3A = arith.constant 3.906250e-03 : f32
    %mul3A_327 = vector.broadcast %mul3A : f32 to vector<16x17x17xf32>
    %mul3A_328 = arith.mulf %add3A_326, %mul3A_327 : vector<16x17x17xf32>
    %swap3A_329 = arith.constant 0 : index
    %swap3A_330 = arith.constant 0 : index
    %swap3A_331 = arith.constant 0 : index
    %swap3A_332 = arith.constant 0 : index
    %swap3A_333 = vector.load %arg4[%swap3A_329, %swap3A_330, %swap3A_331, %swap3A_332] : memref<1x16x17x17xf32, #tpu.memory_space<vmem>>, vector<1x16x17x17xf32>
    %swap3A_334 = vector.shape_cast %swap3A_333 : vector<1x16x17x17xf32> to vector<16x17x17xf32>
    %swap3A_335 = vector.shape_cast %mul3A_328 : vector<16x17x17xf32> to vector<1x16x17x17xf32>
    tpu.vector_store %arg4[%swap3A_329, %swap3A_330, %swap3A_331, %swap3A_332], %swap3A_335 {strides = array<i32>} : memref<1x16x17x17xf32, #tpu.memory_space<vmem>>, vector<1x16x17x17xf32>,
    return
  }
  func.func @transform_0(%arg0: i32, %arg1: i32) -> (i32, i32, i32, i32) {
    %c0_i32 = arith.constant 0 : i32
    %c0_i32_0 = arith.constant 0 : i32
    %c0_i32_1 = arith.constant 0 : i32
    return %arg0, %arg1, %c0_i32, %c0_i32_0 : i32, i32, i32, i32
  }
  func.func @transform_1(%arg0: i32, %arg1: i32) -> (i32, i32, i32, i32) {
    %c0_i32 = arith.constant 0 : i32
    %c0_i32_0 = arith.constant 0 : i32
    %c0_i32_1 = arith.constant 0 : i32
    return %arg0, %arg1, %c0_i32, %c0_i32_0 : i32, i32, i32, i32
  }
  func.func @transform_2(%arg0: i32, %arg1: i32) -> (i32, i32, i32, i32) {
    %c0_i32 = arith.constant 0 : i32
    %c0_i32_0 = arith.constant 0 : i32
    %c0_i32_1 = arith.constant 0 : i32
    return %arg0, %arg1, %c0_i32, %c0_i32_0 : i32, i32, i32, i32
  }
}

module attributes {stable_mosaic.version = 14 : i64} {
  func.func @_apply_kernel(%arg0: i32, %arg1: i32, %arg2: memref<578xf32, #tpu.memory_space<smem>>, %arg3: memref<578xi32, #tpu.memory_space<smem>>, %arg4: memref<1x17x96x196xf32, #tpu.memory_space<vmem>>, %arg5: memref<8x96x96xf32, #tpu.memory_space<vmem>>, %arg6: memref<8x96xf32, #tpu.memory_space<vmem>>, %arg7: memref<1x17x96x196xf32, #tpu.memory_space<vmem>>) attributes {dimension_semantics = [#tpu.dimension_semantics<arbitrary>, #tpu.dimension_semantics<arbitrary>], iteration_bounds = array<i64: 2, 17>, scalar_prefetch = 2 : i64, scratch_operands = 0 : i64, tpu.core_type = #tpu.core_type<tc>, window_params = [{transform_indices = @transform_0, window_bounds = array<i64: 1, 17, 96, 196>}, {pipeline_mode = #tpu.pipeline_mode<synchronous>, transform_indices = @transform_1, window_bounds = array<i64: 8, 96, 96>}, {pipeline_mode = #tpu.pipeline_mode<synchronous>, transform_indices = @transform_2, window_bounds = array<i64: 8, 96>}, {transform_indices = @transform_3, window_bounds = array<i64: 1, 17, 96, 196>}]} {
    %mul3A = arith.constant 289 : i32
    %mul3A_0 = arith.muli %arg0, %mul3A : i32
    %mul3A_1 = arith.constant 17 : i32
    %mul3A_2 = arith.muli %arg1, %mul3A_1 : i32
    %add3A = arith.addi %mul3A_0, %mul3A_2 : i32
    %add3A_3 = arith.constant 0 : i32
    %add3A_4 = arith.addi %add3A, %add3A_3 : i32
    %get3A = arith.index_cast %add3A_4 : i32 to index
    %get3A_5 = memref.load %arg3[%get3A] : memref<578xi32, #tpu.memory_space<smem>>
    %add3A_6 = arith.constant 0 : i32
    %add3A_7 = arith.addi %add3A, %add3A_6 : i32
    %get3A_8 = arith.index_cast %add3A_7 : i32 to index
    %get3A_9 = memref.load %arg2[%get3A_8] : memref<578xf32, #tpu.memory_space<smem>>
    %get3A_10 = arith.index_cast %get3A_5 : i32 to index
    %get3A_11 = arith.constant 0 : index
    %get3A_12 = arith.constant 0 : index
    %get3A_13 = vector.load %arg5[%get3A_10, %get3A_11, %get3A_12] : memref<8x96x96xf32, #tpu.memory_space<vmem>>, vector<1x96x96xf32>
    %get3A_14 = vector.shape_cast %get3A_13 : vector<1x96x96xf32> to vector<96x96xf32>
    %get3A_15 = arith.constant 0 : index
    %get3A_16 = arith.constant 0 : index
    %get3A_17 = arith.constant 0 : index
    %get3A_18 = arith.constant 0 : index
    %get3A_19 = vector.load %arg4[%get3A_15, %get3A_16, %get3A_17, %get3A_18] : memref<1x17x96x196xf32, #tpu.memory_space<vmem>>, vector<1x1x96x196xf32>
    %get3A_20 = vector.shape_cast %get3A_19 : vector<1x1x96x196xf32> to vector<96x196xf32>
    %dot_general3A = arith.constant dense<0.000000e+00> : vector<96x196xf32>
    %dot_general3A_21 = tpu.matmul %get3A_14, %get3A_20, %dot_general3A {dimension_numbers = #tpu.dot_dimension_numbers<[1], [0], [0], [1], [0, 0, 1, 1], [], []>, transpose_lhs_hint = false} : vector<96x96xf32>, vector<96x196xf32>, vector<96x196xf32> -> vector<96x196xf32>
    %get3A_22 = arith.index_cast %get3A_5 : i32 to index
    %get3A_23 = arith.constant 0 : index
    %get3A_24 = vector.load %arg6[%get3A_22, %get3A_23] : memref<8x96xf32, #tpu.memory_space<vmem>>, vector<1x96xf32>
    %get3A_25 = vector.shape_cast %get3A_24 : vector<1x96xf32> to vector<96xf32>
    %broadcast_in_dim3A = vector.shape_cast %get3A_25 : vector<96xf32> to vector<96x1xf32>
    %add3A_26 = vector.broadcast %broadcast_in_dim3A : vector<96x1xf32> to vector<96x196xf32>
    %add3A_27 = arith.addf %dot_general3A_21, %add3A_26 : vector<96x196xf32>
    %mul3A_28 = vector.broadcast %get3A_9 : f32 to vector<96x196xf32>
    %mul3A_29 = arith.mulf %add3A_27, %mul3A_28 : vector<96x196xf32>
    %swap3A = arith.constant 0 : index
    %swap3A_30 = arith.constant 0 : index
    %swap3A_31 = arith.constant 0 : index
    %swap3A_32 = arith.constant 0 : index
    %swap3A_33 = vector.load %arg7[%swap3A, %swap3A_30, %swap3A_31, %swap3A_32] : memref<1x17x96x196xf32, #tpu.memory_space<vmem>>, vector<1x1x96x196xf32>
    %swap3A_34 = vector.shape_cast %swap3A_33 : vector<1x1x96x196xf32> to vector<96x196xf32>
    %swap3A_35 = vector.shape_cast %mul3A_29 : vector<96x196xf32> to vector<1x1x96x196xf32>
    tpu.vector_store %arg7[%swap3A, %swap3A_30, %swap3A_31, %swap3A_32], %swap3A_35 {strides = array<i32>} : memref<1x17x96x196xf32, #tpu.memory_space<vmem>>, vector<1x1x96x196xf32>,
    %add3A_36 = arith.constant 1 : i32
    %add3A_37 = arith.addi %add3A, %add3A_36 : i32
    %get3A_38 = arith.index_cast %add3A_37 : i32 to index
    %get3A_39 = memref.load %arg3[%get3A_38] : memref<578xi32, #tpu.memory_space<smem>>
    %add3A_40 = arith.constant 1 : i32
    %add3A_41 = arith.addi %add3A, %add3A_40 : i32
    %get3A_42 = arith.index_cast %add3A_41 : i32 to index
    %get3A_43 = memref.load %arg2[%get3A_42] : memref<578xf32, #tpu.memory_space<smem>>
    %get3A_44 = arith.index_cast %get3A_39 : i32 to index
    %get3A_45 = arith.constant 0 : index
    %get3A_46 = arith.constant 0 : index
    %get3A_47 = vector.load %arg5[%get3A_44, %get3A_45, %get3A_46] : memref<8x96x96xf32, #tpu.memory_space<vmem>>, vector<1x96x96xf32>
    %get3A_48 = vector.shape_cast %get3A_47 : vector<1x96x96xf32> to vector<96x96xf32>
    %get3A_49 = arith.constant 0 : index
    %get3A_50 = arith.constant 1 : index
    %get3A_51 = arith.constant 0 : index
    %get3A_52 = arith.constant 0 : index
    %get3A_53 = vector.load %arg4[%get3A_49, %get3A_50, %get3A_51, %get3A_52] : memref<1x17x96x196xf32, #tpu.memory_space<vmem>>, vector<1x1x96x196xf32>
    %get3A_54 = vector.shape_cast %get3A_53 : vector<1x1x96x196xf32> to vector<96x196xf32>
    %dot_general3A_55 = arith.constant dense<0.000000e+00> : vector<96x196xf32>
    %dot_general3A_56 = tpu.matmul %get3A_48, %get3A_54, %dot_general3A_55 {dimension_numbers = #tpu.dot_dimension_numbers<[1], [0], [0], [1], [0, 0, 1, 1], [], []>, transpose_lhs_hint = false} : vector<96x96xf32>, vector<96x196xf32>, vector<96x196xf32> -> vector<96x196xf32>
    %get3A_57 = arith.index_cast %get3A_39 : i32 to index
    %get3A_58 = arith.constant 0 : index
    %get3A_59 = vector.load %arg6[%get3A_57, %get3A_58] : memref<8x96xf32, #tpu.memory_space<vmem>>, vector<1x96xf32>
    %get3A_60 = vector.shape_cast %get3A_59 : vector<1x96xf32> to vector<96xf32>
    %broadcast_in_dim3A_61 = vector.shape_cast %get3A_60 : vector<96xf32> to vector<96x1xf32>
    %add3A_62 = vector.broadcast %broadcast_in_dim3A_61 : vector<96x1xf32> to vector<96x196xf32>
    %add3A_63 = arith.addf %dot_general3A_56, %add3A_62 : vector<96x196xf32>
    %mul3A_64 = vector.broadcast %get3A_43 : f32 to vector<96x196xf32>
    %mul3A_65 = arith.mulf %add3A_63, %mul3A_64 : vector<96x196xf32>
    %swap3A_66 = arith.constant 0 : index
    %swap3A_67 = arith.constant 1 : index
    %swap3A_68 = arith.constant 0 : index
    %swap3A_69 = arith.constant 0 : index
    %swap3A_70 = vector.load %arg7[%swap3A_66, %swap3A_67, %swap3A_68, %swap3A_69] : memref<1x17x96x196xf32, #tpu.memory_space<vmem>>, vector<1x1x96x196xf32>
    %swap3A_71 = vector.shape_cast %swap3A_70 : vector<1x1x96x196xf32> to vector<96x196xf32>
    %swap3A_72 = vector.shape_cast %mul3A_65 : vector<96x196xf32> to vector<1x1x96x196xf32>
    tpu.vector_store %arg7[%swap3A_66, %swap3A_67, %swap3A_68, %swap3A_69], %swap3A_72 {strides = array<i32>} : memref<1x17x96x196xf32, #tpu.memory_space<vmem>>, vector<1x1x96x196xf32>,
    %add3A_73 = arith.constant 2 : i32
    %add3A_74 = arith.addi %add3A, %add3A_73 : i32
    %get3A_75 = arith.index_cast %add3A_74 : i32 to index
    %get3A_76 = memref.load %arg3[%get3A_75] : memref<578xi32, #tpu.memory_space<smem>>
    %add3A_77 = arith.constant 2 : i32
    %add3A_78 = arith.addi %add3A, %add3A_77 : i32
    %get3A_79 = arith.index_cast %add3A_78 : i32 to index
    %get3A_80 = memref.load %arg2[%get3A_79] : memref<578xf32, #tpu.memory_space<smem>>
    %get3A_81 = arith.index_cast %get3A_76 : i32 to index
    %get3A_82 = arith.constant 0 : index
    %get3A_83 = arith.constant 0 : index
    %get3A_84 = vector.load %arg5[%get3A_81, %get3A_82, %get3A_83] : memref<8x96x96xf32, #tpu.memory_space<vmem>>, vector<1x96x96xf32>
    %get3A_85 = vector.shape_cast %get3A_84 : vector<1x96x96xf32> to vector<96x96xf32>
    %get3A_86 = arith.constant 0 : index
    %get3A_87 = arith.constant 2 : index
    %get3A_88 = arith.constant 0 : index
    %get3A_89 = arith.constant 0 : index
    %get3A_90 = vector.load %arg4[%get3A_86, %get3A_87, %get3A_88, %get3A_89] : memref<1x17x96x196xf32, #tpu.memory_space<vmem>>, vector<1x1x96x196xf32>
    %get3A_91 = vector.shape_cast %get3A_90 : vector<1x1x96x196xf32> to vector<96x196xf32>
    %dot_general3A_92 = arith.constant dense<0.000000e+00> : vector<96x196xf32>
    %dot_general3A_93 = tpu.matmul %get3A_85, %get3A_91, %dot_general3A_92 {dimension_numbers = #tpu.dot_dimension_numbers<[1], [0], [0], [1], [0, 0, 1, 1], [], []>, transpose_lhs_hint = false} : vector<96x96xf32>, vector<96x196xf32>, vector<96x196xf32> -> vector<96x196xf32>
    %get3A_94 = arith.index_cast %get3A_76 : i32 to index
    %get3A_95 = arith.constant 0 : index
    %get3A_96 = vector.load %arg6[%get3A_94, %get3A_95] : memref<8x96xf32, #tpu.memory_space<vmem>>, vector<1x96xf32>
    %get3A_97 = vector.shape_cast %get3A_96 : vector<1x96xf32> to vector<96xf32>
    %broadcast_in_dim3A_98 = vector.shape_cast %get3A_97 : vector<96xf32> to vector<96x1xf32>
    %add3A_99 = vector.broadcast %broadcast_in_dim3A_98 : vector<96x1xf32> to vector<96x196xf32>
    %add3A_100 = arith.addf %dot_general3A_93, %add3A_99 : vector<96x196xf32>
    %mul3A_101 = vector.broadcast %get3A_80 : f32 to vector<96x196xf32>
    %mul3A_102 = arith.mulf %add3A_100, %mul3A_101 : vector<96x196xf32>
    %swap3A_103 = arith.constant 0 : index
    %swap3A_104 = arith.constant 2 : index
    %swap3A_105 = arith.constant 0 : index
    %swap3A_106 = arith.constant 0 : index
    %swap3A_107 = vector.load %arg7[%swap3A_103, %swap3A_104, %swap3A_105, %swap3A_106] : memref<1x17x96x196xf32, #tpu.memory_space<vmem>>, vector<1x1x96x196xf32>
    %swap3A_108 = vector.shape_cast %swap3A_107 : vector<1x1x96x196xf32> to vector<96x196xf32>
    %swap3A_109 = vector.shape_cast %mul3A_102 : vector<96x196xf32> to vector<1x1x96x196xf32>
    tpu.vector_store %arg7[%swap3A_103, %swap3A_104, %swap3A_105, %swap3A_106], %swap3A_109 {strides = array<i32>} : memref<1x17x96x196xf32, #tpu.memory_space<vmem>>, vector<1x1x96x196xf32>,
    %add3A_110 = arith.constant 3 : i32
    %add3A_111 = arith.addi %add3A, %add3A_110 : i32
    %get3A_112 = arith.index_cast %add3A_111 : i32 to index
    %get3A_113 = memref.load %arg3[%get3A_112] : memref<578xi32, #tpu.memory_space<smem>>
    %add3A_114 = arith.constant 3 : i32
    %add3A_115 = arith.addi %add3A, %add3A_114 : i32
    %get3A_116 = arith.index_cast %add3A_115 : i32 to index
    %get3A_117 = memref.load %arg2[%get3A_116] : memref<578xf32, #tpu.memory_space<smem>>
    %get3A_118 = arith.index_cast %get3A_113 : i32 to index
    %get3A_119 = arith.constant 0 : index
    %get3A_120 = arith.constant 0 : index
    %get3A_121 = vector.load %arg5[%get3A_118, %get3A_119, %get3A_120] : memref<8x96x96xf32, #tpu.memory_space<vmem>>, vector<1x96x96xf32>
    %get3A_122 = vector.shape_cast %get3A_121 : vector<1x96x96xf32> to vector<96x96xf32>
    %get3A_123 = arith.constant 0 : index
    %get3A_124 = arith.constant 3 : index
    %get3A_125 = arith.constant 0 : index
    %get3A_126 = arith.constant 0 : index
    %get3A_127 = vector.load %arg4[%get3A_123, %get3A_124, %get3A_125, %get3A_126] : memref<1x17x96x196xf32, #tpu.memory_space<vmem>>, vector<1x1x96x196xf32>
    %get3A_128 = vector.shape_cast %get3A_127 : vector<1x1x96x196xf32> to vector<96x196xf32>
    %dot_general3A_129 = arith.constant dense<0.000000e+00> : vector<96x196xf32>
    %dot_general3A_130 = tpu.matmul %get3A_122, %get3A_128, %dot_general3A_129 {dimension_numbers = #tpu.dot_dimension_numbers<[1], [0], [0], [1], [0, 0, 1, 1], [], []>, transpose_lhs_hint = false} : vector<96x96xf32>, vector<96x196xf32>, vector<96x196xf32> -> vector<96x196xf32>
    %get3A_131 = arith.index_cast %get3A_113 : i32 to index
    %get3A_132 = arith.constant 0 : index
    %get3A_133 = vector.load %arg6[%get3A_131, %get3A_132] : memref<8x96xf32, #tpu.memory_space<vmem>>, vector<1x96xf32>
    %get3A_134 = vector.shape_cast %get3A_133 : vector<1x96xf32> to vector<96xf32>
    %broadcast_in_dim3A_135 = vector.shape_cast %get3A_134 : vector<96xf32> to vector<96x1xf32>
    %add3A_136 = vector.broadcast %broadcast_in_dim3A_135 : vector<96x1xf32> to vector<96x196xf32>
    %add3A_137 = arith.addf %dot_general3A_130, %add3A_136 : vector<96x196xf32>
    %mul3A_138 = vector.broadcast %get3A_117 : f32 to vector<96x196xf32>
    %mul3A_139 = arith.mulf %add3A_137, %mul3A_138 : vector<96x196xf32>
    %swap3A_140 = arith.constant 0 : index
    %swap3A_141 = arith.constant 3 : index
    %swap3A_142 = arith.constant 0 : index
    %swap3A_143 = arith.constant 0 : index
    %swap3A_144 = vector.load %arg7[%swap3A_140, %swap3A_141, %swap3A_142, %swap3A_143] : memref<1x17x96x196xf32, #tpu.memory_space<vmem>>, vector<1x1x96x196xf32>
    %swap3A_145 = vector.shape_cast %swap3A_144 : vector<1x1x96x196xf32> to vector<96x196xf32>
    %swap3A_146 = vector.shape_cast %mul3A_139 : vector<96x196xf32> to vector<1x1x96x196xf32>
    tpu.vector_store %arg7[%swap3A_140, %swap3A_141, %swap3A_142, %swap3A_143], %swap3A_146 {strides = array<i32>} : memref<1x17x96x196xf32, #tpu.memory_space<vmem>>, vector<1x1x96x196xf32>,
    %add3A_147 = arith.constant 4 : i32
    %add3A_148 = arith.addi %add3A, %add3A_147 : i32
    %get3A_149 = arith.index_cast %add3A_148 : i32 to index
    %get3A_150 = memref.load %arg3[%get3A_149] : memref<578xi32, #tpu.memory_space<smem>>
    %add3A_151 = arith.constant 4 : i32
    %add3A_152 = arith.addi %add3A, %add3A_151 : i32
    %get3A_153 = arith.index_cast %add3A_152 : i32 to index
    %get3A_154 = memref.load %arg2[%get3A_153] : memref<578xf32, #tpu.memory_space<smem>>
    %get3A_155 = arith.index_cast %get3A_150 : i32 to index
    %get3A_156 = arith.constant 0 : index
    %get3A_157 = arith.constant 0 : index
    %get3A_158 = vector.load %arg5[%get3A_155, %get3A_156, %get3A_157] : memref<8x96x96xf32, #tpu.memory_space<vmem>>, vector<1x96x96xf32>
    %get3A_159 = vector.shape_cast %get3A_158 : vector<1x96x96xf32> to vector<96x96xf32>
    %get3A_160 = arith.constant 0 : index
    %get3A_161 = arith.constant 4 : index
    %get3A_162 = arith.constant 0 : index
    %get3A_163 = arith.constant 0 : index
    %get3A_164 = vector.load %arg4[%get3A_160, %get3A_161, %get3A_162, %get3A_163] : memref<1x17x96x196xf32, #tpu.memory_space<vmem>>, vector<1x1x96x196xf32>
    %get3A_165 = vector.shape_cast %get3A_164 : vector<1x1x96x196xf32> to vector<96x196xf32>
    %dot_general3A_166 = arith.constant dense<0.000000e+00> : vector<96x196xf32>
    %dot_general3A_167 = tpu.matmul %get3A_159, %get3A_165, %dot_general3A_166 {dimension_numbers = #tpu.dot_dimension_numbers<[1], [0], [0], [1], [0, 0, 1, 1], [], []>, transpose_lhs_hint = false} : vector<96x96xf32>, vector<96x196xf32>, vector<96x196xf32> -> vector<96x196xf32>
    %get3A_168 = arith.index_cast %get3A_150 : i32 to index
    %get3A_169 = arith.constant 0 : index
    %get3A_170 = vector.load %arg6[%get3A_168, %get3A_169] : memref<8x96xf32, #tpu.memory_space<vmem>>, vector<1x96xf32>
    %get3A_171 = vector.shape_cast %get3A_170 : vector<1x96xf32> to vector<96xf32>
    %broadcast_in_dim3A_172 = vector.shape_cast %get3A_171 : vector<96xf32> to vector<96x1xf32>
    %add3A_173 = vector.broadcast %broadcast_in_dim3A_172 : vector<96x1xf32> to vector<96x196xf32>
    %add3A_174 = arith.addf %dot_general3A_167, %add3A_173 : vector<96x196xf32>
    %mul3A_175 = vector.broadcast %get3A_154 : f32 to vector<96x196xf32>
    %mul3A_176 = arith.mulf %add3A_174, %mul3A_175 : vector<96x196xf32>
    %swap3A_177 = arith.constant 0 : index
    %swap3A_178 = arith.constant 4 : index
    %swap3A_179 = arith.constant 0 : index
    %swap3A_180 = arith.constant 0 : index
    %swap3A_181 = vector.load %arg7[%swap3A_177, %swap3A_178, %swap3A_179, %swap3A_180] : memref<1x17x96x196xf32, #tpu.memory_space<vmem>>, vector<1x1x96x196xf32>
    %swap3A_182 = vector.shape_cast %swap3A_181 : vector<1x1x96x196xf32> to vector<96x196xf32>
    %swap3A_183 = vector.shape_cast %mul3A_176 : vector<96x196xf32> to vector<1x1x96x196xf32>
    tpu.vector_store %arg7[%swap3A_177, %swap3A_178, %swap3A_179, %swap3A_180], %swap3A_183 {strides = array<i32>} : memref<1x17x96x196xf32, #tpu.memory_space<vmem>>, vector<1x1x96x196xf32>,
    %add3A_184 = arith.constant 5 : i32
    %add3A_185 = arith.addi %add3A, %add3A_184 : i32
    %get3A_186 = arith.index_cast %add3A_185 : i32 to index
    %get3A_187 = memref.load %arg3[%get3A_186] : memref<578xi32, #tpu.memory_space<smem>>
    %add3A_188 = arith.constant 5 : i32
    %add3A_189 = arith.addi %add3A, %add3A_188 : i32
    %get3A_190 = arith.index_cast %add3A_189 : i32 to index
    %get3A_191 = memref.load %arg2[%get3A_190] : memref<578xf32, #tpu.memory_space<smem>>
    %get3A_192 = arith.index_cast %get3A_187 : i32 to index
    %get3A_193 = arith.constant 0 : index
    %get3A_194 = arith.constant 0 : index
    %get3A_195 = vector.load %arg5[%get3A_192, %get3A_193, %get3A_194] : memref<8x96x96xf32, #tpu.memory_space<vmem>>, vector<1x96x96xf32>
    %get3A_196 = vector.shape_cast %get3A_195 : vector<1x96x96xf32> to vector<96x96xf32>
    %get3A_197 = arith.constant 0 : index
    %get3A_198 = arith.constant 5 : index
    %get3A_199 = arith.constant 0 : index
    %get3A_200 = arith.constant 0 : index
    %get3A_201 = vector.load %arg4[%get3A_197, %get3A_198, %get3A_199, %get3A_200] : memref<1x17x96x196xf32, #tpu.memory_space<vmem>>, vector<1x1x96x196xf32>
    %get3A_202 = vector.shape_cast %get3A_201 : vector<1x1x96x196xf32> to vector<96x196xf32>
    %dot_general3A_203 = arith.constant dense<0.000000e+00> : vector<96x196xf32>
    %dot_general3A_204 = tpu.matmul %get3A_196, %get3A_202, %dot_general3A_203 {dimension_numbers = #tpu.dot_dimension_numbers<[1], [0], [0], [1], [0, 0, 1, 1], [], []>, transpose_lhs_hint = false} : vector<96x96xf32>, vector<96x196xf32>, vector<96x196xf32> -> vector<96x196xf32>
    %get3A_205 = arith.index_cast %get3A_187 : i32 to index
    %get3A_206 = arith.constant 0 : index
    %get3A_207 = vector.load %arg6[%get3A_205, %get3A_206] : memref<8x96xf32, #tpu.memory_space<vmem>>, vector<1x96xf32>
    %get3A_208 = vector.shape_cast %get3A_207 : vector<1x96xf32> to vector<96xf32>
    %broadcast_in_dim3A_209 = vector.shape_cast %get3A_208 : vector<96xf32> to vector<96x1xf32>
    %add3A_210 = vector.broadcast %broadcast_in_dim3A_209 : vector<96x1xf32> to vector<96x196xf32>
    %add3A_211 = arith.addf %dot_general3A_204, %add3A_210 : vector<96x196xf32>
    %mul3A_212 = vector.broadcast %get3A_191 : f32 to vector<96x196xf32>
    %mul3A_213 = arith.mulf %add3A_211, %mul3A_212 : vector<96x196xf32>
    %swap3A_214 = arith.constant 0 : index
    %swap3A_215 = arith.constant 5 : index
    %swap3A_216 = arith.constant 0 : index
    %swap3A_217 = arith.constant 0 : index
    %swap3A_218 = vector.load %arg7[%swap3A_214, %swap3A_215, %swap3A_216, %swap3A_217] : memref<1x17x96x196xf32, #tpu.memory_space<vmem>>, vector<1x1x96x196xf32>
    %swap3A_219 = vector.shape_cast %swap3A_218 : vector<1x1x96x196xf32> to vector<96x196xf32>
    %swap3A_220 = vector.shape_cast %mul3A_213 : vector<96x196xf32> to vector<1x1x96x196xf32>
    tpu.vector_store %arg7[%swap3A_214, %swap3A_215, %swap3A_216, %swap3A_217], %swap3A_220 {strides = array<i32>} : memref<1x17x96x196xf32, #tpu.memory_space<vmem>>, vector<1x1x96x196xf32>,
    %add3A_221 = arith.constant 6 : i32
    %add3A_222 = arith.addi %add3A, %add3A_221 : i32
    %get3A_223 = arith.index_cast %add3A_222 : i32 to index
    %get3A_224 = memref.load %arg3[%get3A_223] : memref<578xi32, #tpu.memory_space<smem>>
    %add3A_225 = arith.constant 6 : i32
    %add3A_226 = arith.addi %add3A, %add3A_225 : i32
    %get3A_227 = arith.index_cast %add3A_226 : i32 to index
    %get3A_228 = memref.load %arg2[%get3A_227] : memref<578xf32, #tpu.memory_space<smem>>
    %get3A_229 = arith.index_cast %get3A_224 : i32 to index
    %get3A_230 = arith.constant 0 : index
    %get3A_231 = arith.constant 0 : index
    %get3A_232 = vector.load %arg5[%get3A_229, %get3A_230, %get3A_231] : memref<8x96x96xf32, #tpu.memory_space<vmem>>, vector<1x96x96xf32>
    %get3A_233 = vector.shape_cast %get3A_232 : vector<1x96x96xf32> to vector<96x96xf32>
    %get3A_234 = arith.constant 0 : index
    %get3A_235 = arith.constant 6 : index
    %get3A_236 = arith.constant 0 : index
    %get3A_237 = arith.constant 0 : index
    %get3A_238 = vector.load %arg4[%get3A_234, %get3A_235, %get3A_236, %get3A_237] : memref<1x17x96x196xf32, #tpu.memory_space<vmem>>, vector<1x1x96x196xf32>
    %get3A_239 = vector.shape_cast %get3A_238 : vector<1x1x96x196xf32> to vector<96x196xf32>
    %dot_general3A_240 = arith.constant dense<0.000000e+00> : vector<96x196xf32>
    %dot_general3A_241 = tpu.matmul %get3A_233, %get3A_239, %dot_general3A_240 {dimension_numbers = #tpu.dot_dimension_numbers<[1], [0], [0], [1], [0, 0, 1, 1], [], []>, transpose_lhs_hint = false} : vector<96x96xf32>, vector<96x196xf32>, vector<96x196xf32> -> vector<96x196xf32>
    %get3A_242 = arith.index_cast %get3A_224 : i32 to index
    %get3A_243 = arith.constant 0 : index
    %get3A_244 = vector.load %arg6[%get3A_242, %get3A_243] : memref<8x96xf32, #tpu.memory_space<vmem>>, vector<1x96xf32>
    %get3A_245 = vector.shape_cast %get3A_244 : vector<1x96xf32> to vector<96xf32>
    %broadcast_in_dim3A_246 = vector.shape_cast %get3A_245 : vector<96xf32> to vector<96x1xf32>
    %add3A_247 = vector.broadcast %broadcast_in_dim3A_246 : vector<96x1xf32> to vector<96x196xf32>
    %add3A_248 = arith.addf %dot_general3A_241, %add3A_247 : vector<96x196xf32>
    %mul3A_249 = vector.broadcast %get3A_228 : f32 to vector<96x196xf32>
    %mul3A_250 = arith.mulf %add3A_248, %mul3A_249 : vector<96x196xf32>
    %swap3A_251 = arith.constant 0 : index
    %swap3A_252 = arith.constant 6 : index
    %swap3A_253 = arith.constant 0 : index
    %swap3A_254 = arith.constant 0 : index
    %swap3A_255 = vector.load %arg7[%swap3A_251, %swap3A_252, %swap3A_253, %swap3A_254] : memref<1x17x96x196xf32, #tpu.memory_space<vmem>>, vector<1x1x96x196xf32>
    %swap3A_256 = vector.shape_cast %swap3A_255 : vector<1x1x96x196xf32> to vector<96x196xf32>
    %swap3A_257 = vector.shape_cast %mul3A_250 : vector<96x196xf32> to vector<1x1x96x196xf32>
    tpu.vector_store %arg7[%swap3A_251, %swap3A_252, %swap3A_253, %swap3A_254], %swap3A_257 {strides = array<i32>} : memref<1x17x96x196xf32, #tpu.memory_space<vmem>>, vector<1x1x96x196xf32>,
    %add3A_258 = arith.constant 7 : i32
    %add3A_259 = arith.addi %add3A, %add3A_258 : i32
    %get3A_260 = arith.index_cast %add3A_259 : i32 to index
    %get3A_261 = memref.load %arg3[%get3A_260] : memref<578xi32, #tpu.memory_space<smem>>
    %add3A_262 = arith.constant 7 : i32
    %add3A_263 = arith.addi %add3A, %add3A_262 : i32
    %get3A_264 = arith.index_cast %add3A_263 : i32 to index
    %get3A_265 = memref.load %arg2[%get3A_264] : memref<578xf32, #tpu.memory_space<smem>>
    %get3A_266 = arith.index_cast %get3A_261 : i32 to index
    %get3A_267 = arith.constant 0 : index
    %get3A_268 = arith.constant 0 : index
    %get3A_269 = vector.load %arg5[%get3A_266, %get3A_267, %get3A_268] : memref<8x96x96xf32, #tpu.memory_space<vmem>>, vector<1x96x96xf32>
    %get3A_270 = vector.shape_cast %get3A_269 : vector<1x96x96xf32> to vector<96x96xf32>
    %get3A_271 = arith.constant 0 : index
    %get3A_272 = arith.constant 7 : index
    %get3A_273 = arith.constant 0 : index
    %get3A_274 = arith.constant 0 : index
    %get3A_275 = vector.load %arg4[%get3A_271, %get3A_272, %get3A_273, %get3A_274] : memref<1x17x96x196xf32, #tpu.memory_space<vmem>>, vector<1x1x96x196xf32>
    %get3A_276 = vector.shape_cast %get3A_275 : vector<1x1x96x196xf32> to vector<96x196xf32>
    %dot_general3A_277 = arith.constant dense<0.000000e+00> : vector<96x196xf32>
    %dot_general3A_278 = tpu.matmul %get3A_270, %get3A_276, %dot_general3A_277 {dimension_numbers = #tpu.dot_dimension_numbers<[1], [0], [0], [1], [0, 0, 1, 1], [], []>, transpose_lhs_hint = false} : vector<96x96xf32>, vector<96x196xf32>, vector<96x196xf32> -> vector<96x196xf32>
    %get3A_279 = arith.index_cast %get3A_261 : i32 to index
    %get3A_280 = arith.constant 0 : index
    %get3A_281 = vector.load %arg6[%get3A_279, %get3A_280] : memref<8x96xf32, #tpu.memory_space<vmem>>, vector<1x96xf32>
    %get3A_282 = vector.shape_cast %get3A_281 : vector<1x96xf32> to vector<96xf32>
    %broadcast_in_dim3A_283 = vector.shape_cast %get3A_282 : vector<96xf32> to vector<96x1xf32>
    %add3A_284 = vector.broadcast %broadcast_in_dim3A_283 : vector<96x1xf32> to vector<96x196xf32>
    %add3A_285 = arith.addf %dot_general3A_278, %add3A_284 : vector<96x196xf32>
    %mul3A_286 = vector.broadcast %get3A_265 : f32 to vector<96x196xf32>
    %mul3A_287 = arith.mulf %add3A_285, %mul3A_286 : vector<96x196xf32>
    %swap3A_288 = arith.constant 0 : index
    %swap3A_289 = arith.constant 7 : index
    %swap3A_290 = arith.constant 0 : index
    %swap3A_291 = arith.constant 0 : index
    %swap3A_292 = vector.load %arg7[%swap3A_288, %swap3A_289, %swap3A_290, %swap3A_291] : memref<1x17x96x196xf32, #tpu.memory_space<vmem>>, vector<1x1x96x196xf32>
    %swap3A_293 = vector.shape_cast %swap3A_292 : vector<1x1x96x196xf32> to vector<96x196xf32>
    %swap3A_294 = vector.shape_cast %mul3A_287 : vector<96x196xf32> to vector<1x1x96x196xf32>
    tpu.vector_store %arg7[%swap3A_288, %swap3A_289, %swap3A_290, %swap3A_291], %swap3A_294 {strides = array<i32>} : memref<1x17x96x196xf32, #tpu.memory_space<vmem>>, vector<1x1x96x196xf32>,
    %add3A_295 = arith.constant 8 : i32
    %add3A_296 = arith.addi %add3A, %add3A_295 : i32
    %get3A_297 = arith.index_cast %add3A_296 : i32 to index
    %get3A_298 = memref.load %arg3[%get3A_297] : memref<578xi32, #tpu.memory_space<smem>>
    %add3A_299 = arith.constant 8 : i32
    %add3A_300 = arith.addi %add3A, %add3A_299 : i32
    %get3A_301 = arith.index_cast %add3A_300 : i32 to index
    %get3A_302 = memref.load %arg2[%get3A_301] : memref<578xf32, #tpu.memory_space<smem>>
    %get3A_303 = arith.index_cast %get3A_298 : i32 to index
    %get3A_304 = arith.constant 0 : index
    %get3A_305 = arith.constant 0 : index
    %get3A_306 = vector.load %arg5[%get3A_303, %get3A_304, %get3A_305] : memref<8x96x96xf32, #tpu.memory_space<vmem>>, vector<1x96x96xf32>
    %get3A_307 = vector.shape_cast %get3A_306 : vector<1x96x96xf32> to vector<96x96xf32>
    %get3A_308 = arith.constant 0 : index
    %get3A_309 = arith.constant 8 : index
    %get3A_310 = arith.constant 0 : index
    %get3A_311 = arith.constant 0 : index
    %get3A_312 = vector.load %arg4[%get3A_308, %get3A_309, %get3A_310, %get3A_311] : memref<1x17x96x196xf32, #tpu.memory_space<vmem>>, vector<1x1x96x196xf32>
    %get3A_313 = vector.shape_cast %get3A_312 : vector<1x1x96x196xf32> to vector<96x196xf32>
    %dot_general3A_314 = arith.constant dense<0.000000e+00> : vector<96x196xf32>
    %dot_general3A_315 = tpu.matmul %get3A_307, %get3A_313, %dot_general3A_314 {dimension_numbers = #tpu.dot_dimension_numbers<[1], [0], [0], [1], [0, 0, 1, 1], [], []>, transpose_lhs_hint = false} : vector<96x96xf32>, vector<96x196xf32>, vector<96x196xf32> -> vector<96x196xf32>
    %get3A_316 = arith.index_cast %get3A_298 : i32 to index
    %get3A_317 = arith.constant 0 : index
    %get3A_318 = vector.load %arg6[%get3A_316, %get3A_317] : memref<8x96xf32, #tpu.memory_space<vmem>>, vector<1x96xf32>
    %get3A_319 = vector.shape_cast %get3A_318 : vector<1x96xf32> to vector<96xf32>
    %broadcast_in_dim3A_320 = vector.shape_cast %get3A_319 : vector<96xf32> to vector<96x1xf32>
    %add3A_321 = vector.broadcast %broadcast_in_dim3A_320 : vector<96x1xf32> to vector<96x196xf32>
    %add3A_322 = arith.addf %dot_general3A_315, %add3A_321 : vector<96x196xf32>
    %mul3A_323 = vector.broadcast %get3A_302 : f32 to vector<96x196xf32>
    %mul3A_324 = arith.mulf %add3A_322, %mul3A_323 : vector<96x196xf32>
    %swap3A_325 = arith.constant 0 : index
    %swap3A_326 = arith.constant 8 : index
    %swap3A_327 = arith.constant 0 : index
    %swap3A_328 = arith.constant 0 : index
    %swap3A_329 = vector.load %arg7[%swap3A_325, %swap3A_326, %swap3A_327, %swap3A_328] : memref<1x17x96x196xf32, #tpu.memory_space<vmem>>, vector<1x1x96x196xf32>
    %swap3A_330 = vector.shape_cast %swap3A_329 : vector<1x1x96x196xf32> to vector<96x196xf32>
    %swap3A_331 = vector.shape_cast %mul3A_324 : vector<96x196xf32> to vector<1x1x96x196xf32>
    tpu.vector_store %arg7[%swap3A_325, %swap3A_326, %swap3A_327, %swap3A_328], %swap3A_331 {strides = array<i32>} : memref<1x17x96x196xf32, #tpu.memory_space<vmem>>, vector<1x1x96x196xf32>,
    %add3A_332 = arith.constant 9 : i32
    %add3A_333 = arith.addi %add3A, %add3A_332 : i32
    %get3A_334 = arith.index_cast %add3A_333 : i32 to index
    %get3A_335 = memref.load %arg3[%get3A_334] : memref<578xi32, #tpu.memory_space<smem>>
    %add3A_336 = arith.constant 9 : i32
    %add3A_337 = arith.addi %add3A, %add3A_336 : i32
    %get3A_338 = arith.index_cast %add3A_337 : i32 to index
    %get3A_339 = memref.load %arg2[%get3A_338] : memref<578xf32, #tpu.memory_space<smem>>
    %get3A_340 = arith.index_cast %get3A_335 : i32 to index
    %get3A_341 = arith.constant 0 : index
    %get3A_342 = arith.constant 0 : index
    %get3A_343 = vector.load %arg5[%get3A_340, %get3A_341, %get3A_342] : memref<8x96x96xf32, #tpu.memory_space<vmem>>, vector<1x96x96xf32>
    %get3A_344 = vector.shape_cast %get3A_343 : vector<1x96x96xf32> to vector<96x96xf32>
    %get3A_345 = arith.constant 0 : index
    %get3A_346 = arith.constant 9 : index
    %get3A_347 = arith.constant 0 : index
    %get3A_348 = arith.constant 0 : index
    %get3A_349 = vector.load %arg4[%get3A_345, %get3A_346, %get3A_347, %get3A_348] : memref<1x17x96x196xf32, #tpu.memory_space<vmem>>, vector<1x1x96x196xf32>
    %get3A_350 = vector.shape_cast %get3A_349 : vector<1x1x96x196xf32> to vector<96x196xf32>
    %dot_general3A_351 = arith.constant dense<0.000000e+00> : vector<96x196xf32>
    %dot_general3A_352 = tpu.matmul %get3A_344, %get3A_350, %dot_general3A_351 {dimension_numbers = #tpu.dot_dimension_numbers<[1], [0], [0], [1], [0, 0, 1, 1], [], []>, transpose_lhs_hint = false} : vector<96x96xf32>, vector<96x196xf32>, vector<96x196xf32> -> vector<96x196xf32>
    %get3A_353 = arith.index_cast %get3A_335 : i32 to index
    %get3A_354 = arith.constant 0 : index
    %get3A_355 = vector.load %arg6[%get3A_353, %get3A_354] : memref<8x96xf32, #tpu.memory_space<vmem>>, vector<1x96xf32>
    %get3A_356 = vector.shape_cast %get3A_355 : vector<1x96xf32> to vector<96xf32>
    %broadcast_in_dim3A_357 = vector.shape_cast %get3A_356 : vector<96xf32> to vector<96x1xf32>
    %add3A_358 = vector.broadcast %broadcast_in_dim3A_357 : vector<96x1xf32> to vector<96x196xf32>
    %add3A_359 = arith.addf %dot_general3A_352, %add3A_358 : vector<96x196xf32>
    %mul3A_360 = vector.broadcast %get3A_339 : f32 to vector<96x196xf32>
    %mul3A_361 = arith.mulf %add3A_359, %mul3A_360 : vector<96x196xf32>
    %swap3A_362 = arith.constant 0 : index
    %swap3A_363 = arith.constant 9 : index
    %swap3A_364 = arith.constant 0 : index
    %swap3A_365 = arith.constant 0 : index
    %swap3A_366 = vector.load %arg7[%swap3A_362, %swap3A_363, %swap3A_364, %swap3A_365] : memref<1x17x96x196xf32, #tpu.memory_space<vmem>>, vector<1x1x96x196xf32>
    %swap3A_367 = vector.shape_cast %swap3A_366 : vector<1x1x96x196xf32> to vector<96x196xf32>
    %swap3A_368 = vector.shape_cast %mul3A_361 : vector<96x196xf32> to vector<1x1x96x196xf32>
    tpu.vector_store %arg7[%swap3A_362, %swap3A_363, %swap3A_364, %swap3A_365], %swap3A_368 {strides = array<i32>} : memref<1x17x96x196xf32, #tpu.memory_space<vmem>>, vector<1x1x96x196xf32>,
    %add3A_369 = arith.constant 10 : i32
    %add3A_370 = arith.addi %add3A, %add3A_369 : i32
    %get3A_371 = arith.index_cast %add3A_370 : i32 to index
    %get3A_372 = memref.load %arg3[%get3A_371] : memref<578xi32, #tpu.memory_space<smem>>
    %add3A_373 = arith.constant 10 : i32
    %add3A_374 = arith.addi %add3A, %add3A_373 : i32
    %get3A_375 = arith.index_cast %add3A_374 : i32 to index
    %get3A_376 = memref.load %arg2[%get3A_375] : memref<578xf32, #tpu.memory_space<smem>>
    %get3A_377 = arith.index_cast %get3A_372 : i32 to index
    %get3A_378 = arith.constant 0 : index
    %get3A_379 = arith.constant 0 : index
    %get3A_380 = vector.load %arg5[%get3A_377, %get3A_378, %get3A_379] : memref<8x96x96xf32, #tpu.memory_space<vmem>>, vector<1x96x96xf32>
    %get3A_381 = vector.shape_cast %get3A_380 : vector<1x96x96xf32> to vector<96x96xf32>
    %get3A_382 = arith.constant 0 : index
    %get3A_383 = arith.constant 10 : index
    %get3A_384 = arith.constant 0 : index
    %get3A_385 = arith.constant 0 : index
    %get3A_386 = vector.load %arg4[%get3A_382, %get3A_383, %get3A_384, %get3A_385] : memref<1x17x96x196xf32, #tpu.memory_space<vmem>>, vector<1x1x96x196xf32>
    %get3A_387 = vector.shape_cast %get3A_386 : vector<1x1x96x196xf32> to vector<96x196xf32>
    %dot_general3A_388 = arith.constant dense<0.000000e+00> : vector<96x196xf32>
    %dot_general3A_389 = tpu.matmul %get3A_381, %get3A_387, %dot_general3A_388 {dimension_numbers = #tpu.dot_dimension_numbers<[1], [0], [0], [1], [0, 0, 1, 1], [], []>, transpose_lhs_hint = false} : vector<96x96xf32>, vector<96x196xf32>, vector<96x196xf32> -> vector<96x196xf32>
    %get3A_390 = arith.index_cast %get3A_372 : i32 to index
    %get3A_391 = arith.constant 0 : index
    %get3A_392 = vector.load %arg6[%get3A_390, %get3A_391] : memref<8x96xf32, #tpu.memory_space<vmem>>, vector<1x96xf32>
    %get3A_393 = vector.shape_cast %get3A_392 : vector<1x96xf32> to vector<96xf32>
    %broadcast_in_dim3A_394 = vector.shape_cast %get3A_393 : vector<96xf32> to vector<96x1xf32>
    %add3A_395 = vector.broadcast %broadcast_in_dim3A_394 : vector<96x1xf32> to vector<96x196xf32>
    %add3A_396 = arith.addf %dot_general3A_389, %add3A_395 : vector<96x196xf32>
    %mul3A_397 = vector.broadcast %get3A_376 : f32 to vector<96x196xf32>
    %mul3A_398 = arith.mulf %add3A_396, %mul3A_397 : vector<96x196xf32>
    %swap3A_399 = arith.constant 0 : index
    %swap3A_400 = arith.constant 10 : index
    %swap3A_401 = arith.constant 0 : index
    %swap3A_402 = arith.constant 0 : index
    %swap3A_403 = vector.load %arg7[%swap3A_399, %swap3A_400, %swap3A_401, %swap3A_402] : memref<1x17x96x196xf32, #tpu.memory_space<vmem>>, vector<1x1x96x196xf32>
    %swap3A_404 = vector.shape_cast %swap3A_403 : vector<1x1x96x196xf32> to vector<96x196xf32>
    %swap3A_405 = vector.shape_cast %mul3A_398 : vector<96x196xf32> to vector<1x1x96x196xf32>
    tpu.vector_store %arg7[%swap3A_399, %swap3A_400, %swap3A_401, %swap3A_402], %swap3A_405 {strides = array<i32>} : memref<1x17x96x196xf32, #tpu.memory_space<vmem>>, vector<1x1x96x196xf32>,
    %add3A_406 = arith.constant 11 : i32
    %add3A_407 = arith.addi %add3A, %add3A_406 : i32
    %get3A_408 = arith.index_cast %add3A_407 : i32 to index
    %get3A_409 = memref.load %arg3[%get3A_408] : memref<578xi32, #tpu.memory_space<smem>>
    %add3A_410 = arith.constant 11 : i32
    %add3A_411 = arith.addi %add3A, %add3A_410 : i32
    %get3A_412 = arith.index_cast %add3A_411 : i32 to index
    %get3A_413 = memref.load %arg2[%get3A_412] : memref<578xf32, #tpu.memory_space<smem>>
    %get3A_414 = arith.index_cast %get3A_409 : i32 to index
    %get3A_415 = arith.constant 0 : index
    %get3A_416 = arith.constant 0 : index
    %get3A_417 = vector.load %arg5[%get3A_414, %get3A_415, %get3A_416] : memref<8x96x96xf32, #tpu.memory_space<vmem>>, vector<1x96x96xf32>
    %get3A_418 = vector.shape_cast %get3A_417 : vector<1x96x96xf32> to vector<96x96xf32>
    %get3A_419 = arith.constant 0 : index
    %get3A_420 = arith.constant 11 : index
    %get3A_421 = arith.constant 0 : index
    %get3A_422 = arith.constant 0 : index
    %get3A_423 = vector.load %arg4[%get3A_419, %get3A_420, %get3A_421, %get3A_422] : memref<1x17x96x196xf32, #tpu.memory_space<vmem>>, vector<1x1x96x196xf32>
    %get3A_424 = vector.shape_cast %get3A_423 : vector<1x1x96x196xf32> to vector<96x196xf32>
    %dot_general3A_425 = arith.constant dense<0.000000e+00> : vector<96x196xf32>
    %dot_general3A_426 = tpu.matmul %get3A_418, %get3A_424, %dot_general3A_425 {dimension_numbers = #tpu.dot_dimension_numbers<[1], [0], [0], [1], [0, 0, 1, 1], [], []>, transpose_lhs_hint = false} : vector<96x96xf32>, vector<96x196xf32>, vector<96x196xf32> -> vector<96x196xf32>
    %get3A_427 = arith.index_cast %get3A_409 : i32 to index
    %get3A_428 = arith.constant 0 : index
    %get3A_429 = vector.load %arg6[%get3A_427, %get3A_428] : memref<8x96xf32, #tpu.memory_space<vmem>>, vector<1x96xf32>
    %get3A_430 = vector.shape_cast %get3A_429 : vector<1x96xf32> to vector<96xf32>
    %broadcast_in_dim3A_431 = vector.shape_cast %get3A_430 : vector<96xf32> to vector<96x1xf32>
    %add3A_432 = vector.broadcast %broadcast_in_dim3A_431 : vector<96x1xf32> to vector<96x196xf32>
    %add3A_433 = arith.addf %dot_general3A_426, %add3A_432 : vector<96x196xf32>
    %mul3A_434 = vector.broadcast %get3A_413 : f32 to vector<96x196xf32>
    %mul3A_435 = arith.mulf %add3A_433, %mul3A_434 : vector<96x196xf32>
    %swap3A_436 = arith.constant 0 : index
    %swap3A_437 = arith.constant 11 : index
    %swap3A_438 = arith.constant 0 : index
    %swap3A_439 = arith.constant 0 : index
    %swap3A_440 = vector.load %arg7[%swap3A_436, %swap3A_437, %swap3A_438, %swap3A_439] : memref<1x17x96x196xf32, #tpu.memory_space<vmem>>, vector<1x1x96x196xf32>
    %swap3A_441 = vector.shape_cast %swap3A_440 : vector<1x1x96x196xf32> to vector<96x196xf32>
    %swap3A_442 = vector.shape_cast %mul3A_435 : vector<96x196xf32> to vector<1x1x96x196xf32>
    tpu.vector_store %arg7[%swap3A_436, %swap3A_437, %swap3A_438, %swap3A_439], %swap3A_442 {strides = array<i32>} : memref<1x17x96x196xf32, #tpu.memory_space<vmem>>, vector<1x1x96x196xf32>,
    %add3A_443 = arith.constant 12 : i32
    %add3A_444 = arith.addi %add3A, %add3A_443 : i32
    %get3A_445 = arith.index_cast %add3A_444 : i32 to index
    %get3A_446 = memref.load %arg3[%get3A_445] : memref<578xi32, #tpu.memory_space<smem>>
    %add3A_447 = arith.constant 12 : i32
    %add3A_448 = arith.addi %add3A, %add3A_447 : i32
    %get3A_449 = arith.index_cast %add3A_448 : i32 to index
    %get3A_450 = memref.load %arg2[%get3A_449] : memref<578xf32, #tpu.memory_space<smem>>
    %get3A_451 = arith.index_cast %get3A_446 : i32 to index
    %get3A_452 = arith.constant 0 : index
    %get3A_453 = arith.constant 0 : index
    %get3A_454 = vector.load %arg5[%get3A_451, %get3A_452, %get3A_453] : memref<8x96x96xf32, #tpu.memory_space<vmem>>, vector<1x96x96xf32>
    %get3A_455 = vector.shape_cast %get3A_454 : vector<1x96x96xf32> to vector<96x96xf32>
    %get3A_456 = arith.constant 0 : index
    %get3A_457 = arith.constant 12 : index
    %get3A_458 = arith.constant 0 : index
    %get3A_459 = arith.constant 0 : index
    %get3A_460 = vector.load %arg4[%get3A_456, %get3A_457, %get3A_458, %get3A_459] : memref<1x17x96x196xf32, #tpu.memory_space<vmem>>, vector<1x1x96x196xf32>
    %get3A_461 = vector.shape_cast %get3A_460 : vector<1x1x96x196xf32> to vector<96x196xf32>
    %dot_general3A_462 = arith.constant dense<0.000000e+00> : vector<96x196xf32>
    %dot_general3A_463 = tpu.matmul %get3A_455, %get3A_461, %dot_general3A_462 {dimension_numbers = #tpu.dot_dimension_numbers<[1], [0], [0], [1], [0, 0, 1, 1], [], []>, transpose_lhs_hint = false} : vector<96x96xf32>, vector<96x196xf32>, vector<96x196xf32> -> vector<96x196xf32>
    %get3A_464 = arith.index_cast %get3A_446 : i32 to index
    %get3A_465 = arith.constant 0 : index
    %get3A_466 = vector.load %arg6[%get3A_464, %get3A_465] : memref<8x96xf32, #tpu.memory_space<vmem>>, vector<1x96xf32>
    %get3A_467 = vector.shape_cast %get3A_466 : vector<1x96xf32> to vector<96xf32>
    %broadcast_in_dim3A_468 = vector.shape_cast %get3A_467 : vector<96xf32> to vector<96x1xf32>
    %add3A_469 = vector.broadcast %broadcast_in_dim3A_468 : vector<96x1xf32> to vector<96x196xf32>
    %add3A_470 = arith.addf %dot_general3A_463, %add3A_469 : vector<96x196xf32>
    %mul3A_471 = vector.broadcast %get3A_450 : f32 to vector<96x196xf32>
    %mul3A_472 = arith.mulf %add3A_470, %mul3A_471 : vector<96x196xf32>
    %swap3A_473 = arith.constant 0 : index
    %swap3A_474 = arith.constant 12 : index
    %swap3A_475 = arith.constant 0 : index
    %swap3A_476 = arith.constant 0 : index
    %swap3A_477 = vector.load %arg7[%swap3A_473, %swap3A_474, %swap3A_475, %swap3A_476] : memref<1x17x96x196xf32, #tpu.memory_space<vmem>>, vector<1x1x96x196xf32>
    %swap3A_478 = vector.shape_cast %swap3A_477 : vector<1x1x96x196xf32> to vector<96x196xf32>
    %swap3A_479 = vector.shape_cast %mul3A_472 : vector<96x196xf32> to vector<1x1x96x196xf32>
    tpu.vector_store %arg7[%swap3A_473, %swap3A_474, %swap3A_475, %swap3A_476], %swap3A_479 {strides = array<i32>} : memref<1x17x96x196xf32, #tpu.memory_space<vmem>>, vector<1x1x96x196xf32>,
    %add3A_480 = arith.constant 13 : i32
    %add3A_481 = arith.addi %add3A, %add3A_480 : i32
    %get3A_482 = arith.index_cast %add3A_481 : i32 to index
    %get3A_483 = memref.load %arg3[%get3A_482] : memref<578xi32, #tpu.memory_space<smem>>
    %add3A_484 = arith.constant 13 : i32
    %add3A_485 = arith.addi %add3A, %add3A_484 : i32
    %get3A_486 = arith.index_cast %add3A_485 : i32 to index
    %get3A_487 = memref.load %arg2[%get3A_486] : memref<578xf32, #tpu.memory_space<smem>>
    %get3A_488 = arith.index_cast %get3A_483 : i32 to index
    %get3A_489 = arith.constant 0 : index
    %get3A_490 = arith.constant 0 : index
    %get3A_491 = vector.load %arg5[%get3A_488, %get3A_489, %get3A_490] : memref<8x96x96xf32, #tpu.memory_space<vmem>>, vector<1x96x96xf32>
    %get3A_492 = vector.shape_cast %get3A_491 : vector<1x96x96xf32> to vector<96x96xf32>
    %get3A_493 = arith.constant 0 : index
    %get3A_494 = arith.constant 13 : index
    %get3A_495 = arith.constant 0 : index
    %get3A_496 = arith.constant 0 : index
    %get3A_497 = vector.load %arg4[%get3A_493, %get3A_494, %get3A_495, %get3A_496] : memref<1x17x96x196xf32, #tpu.memory_space<vmem>>, vector<1x1x96x196xf32>
    %get3A_498 = vector.shape_cast %get3A_497 : vector<1x1x96x196xf32> to vector<96x196xf32>
    %dot_general3A_499 = arith.constant dense<0.000000e+00> : vector<96x196xf32>
    %dot_general3A_500 = tpu.matmul %get3A_492, %get3A_498, %dot_general3A_499 {dimension_numbers = #tpu.dot_dimension_numbers<[1], [0], [0], [1], [0, 0, 1, 1], [], []>, transpose_lhs_hint = false} : vector<96x96xf32>, vector<96x196xf32>, vector<96x196xf32> -> vector<96x196xf32>
    %get3A_501 = arith.index_cast %get3A_483 : i32 to index
    %get3A_502 = arith.constant 0 : index
    %get3A_503 = vector.load %arg6[%get3A_501, %get3A_502] : memref<8x96xf32, #tpu.memory_space<vmem>>, vector<1x96xf32>
    %get3A_504 = vector.shape_cast %get3A_503 : vector<1x96xf32> to vector<96xf32>
    %broadcast_in_dim3A_505 = vector.shape_cast %get3A_504 : vector<96xf32> to vector<96x1xf32>
    %add3A_506 = vector.broadcast %broadcast_in_dim3A_505 : vector<96x1xf32> to vector<96x196xf32>
    %add3A_507 = arith.addf %dot_general3A_500, %add3A_506 : vector<96x196xf32>
    %mul3A_508 = vector.broadcast %get3A_487 : f32 to vector<96x196xf32>
    %mul3A_509 = arith.mulf %add3A_507, %mul3A_508 : vector<96x196xf32>
    %swap3A_510 = arith.constant 0 : index
    %swap3A_511 = arith.constant 13 : index
    %swap3A_512 = arith.constant 0 : index
    %swap3A_513 = arith.constant 0 : index
    %swap3A_514 = vector.load %arg7[%swap3A_510, %swap3A_511, %swap3A_512, %swap3A_513] : memref<1x17x96x196xf32, #tpu.memory_space<vmem>>, vector<1x1x96x196xf32>
    %swap3A_515 = vector.shape_cast %swap3A_514 : vector<1x1x96x196xf32> to vector<96x196xf32>
    %swap3A_516 = vector.shape_cast %mul3A_509 : vector<96x196xf32> to vector<1x1x96x196xf32>
    tpu.vector_store %arg7[%swap3A_510, %swap3A_511, %swap3A_512, %swap3A_513], %swap3A_516 {strides = array<i32>} : memref<1x17x96x196xf32, #tpu.memory_space<vmem>>, vector<1x1x96x196xf32>,
    %add3A_517 = arith.constant 14 : i32
    %add3A_518 = arith.addi %add3A, %add3A_517 : i32
    %get3A_519 = arith.index_cast %add3A_518 : i32 to index
    %get3A_520 = memref.load %arg3[%get3A_519] : memref<578xi32, #tpu.memory_space<smem>>
    %add3A_521 = arith.constant 14 : i32
    %add3A_522 = arith.addi %add3A, %add3A_521 : i32
    %get3A_523 = arith.index_cast %add3A_522 : i32 to index
    %get3A_524 = memref.load %arg2[%get3A_523] : memref<578xf32, #tpu.memory_space<smem>>
    %get3A_525 = arith.index_cast %get3A_520 : i32 to index
    %get3A_526 = arith.constant 0 : index
    %get3A_527 = arith.constant 0 : index
    %get3A_528 = vector.load %arg5[%get3A_525, %get3A_526, %get3A_527] : memref<8x96x96xf32, #tpu.memory_space<vmem>>, vector<1x96x96xf32>
    %get3A_529 = vector.shape_cast %get3A_528 : vector<1x96x96xf32> to vector<96x96xf32>
    %get3A_530 = arith.constant 0 : index
    %get3A_531 = arith.constant 14 : index
    %get3A_532 = arith.constant 0 : index
    %get3A_533 = arith.constant 0 : index
    %get3A_534 = vector.load %arg4[%get3A_530, %get3A_531, %get3A_532, %get3A_533] : memref<1x17x96x196xf32, #tpu.memory_space<vmem>>, vector<1x1x96x196xf32>
    %get3A_535 = vector.shape_cast %get3A_534 : vector<1x1x96x196xf32> to vector<96x196xf32>
    %dot_general3A_536 = arith.constant dense<0.000000e+00> : vector<96x196xf32>
    %dot_general3A_537 = tpu.matmul %get3A_529, %get3A_535, %dot_general3A_536 {dimension_numbers = #tpu.dot_dimension_numbers<[1], [0], [0], [1], [0, 0, 1, 1], [], []>, transpose_lhs_hint = false} : vector<96x96xf32>, vector<96x196xf32>, vector<96x196xf32> -> vector<96x196xf32>
    %get3A_538 = arith.index_cast %get3A_520 : i32 to index
    %get3A_539 = arith.constant 0 : index
    %get3A_540 = vector.load %arg6[%get3A_538, %get3A_539] : memref<8x96xf32, #tpu.memory_space<vmem>>, vector<1x96xf32>
    %get3A_541 = vector.shape_cast %get3A_540 : vector<1x96xf32> to vector<96xf32>
    %broadcast_in_dim3A_542 = vector.shape_cast %get3A_541 : vector<96xf32> to vector<96x1xf32>
    %add3A_543 = vector.broadcast %broadcast_in_dim3A_542 : vector<96x1xf32> to vector<96x196xf32>
    %add3A_544 = arith.addf %dot_general3A_537, %add3A_543 : vector<96x196xf32>
    %mul3A_545 = vector.broadcast %get3A_524 : f32 to vector<96x196xf32>
    %mul3A_546 = arith.mulf %add3A_544, %mul3A_545 : vector<96x196xf32>
    %swap3A_547 = arith.constant 0 : index
    %swap3A_548 = arith.constant 14 : index
    %swap3A_549 = arith.constant 0 : index
    %swap3A_550 = arith.constant 0 : index
    %swap3A_551 = vector.load %arg7[%swap3A_547, %swap3A_548, %swap3A_549, %swap3A_550] : memref<1x17x96x196xf32, #tpu.memory_space<vmem>>, vector<1x1x96x196xf32>
    %swap3A_552 = vector.shape_cast %swap3A_551 : vector<1x1x96x196xf32> to vector<96x196xf32>
    %swap3A_553 = vector.shape_cast %mul3A_546 : vector<96x196xf32> to vector<1x1x96x196xf32>
    tpu.vector_store %arg7[%swap3A_547, %swap3A_548, %swap3A_549, %swap3A_550], %swap3A_553 {strides = array<i32>} : memref<1x17x96x196xf32, #tpu.memory_space<vmem>>, vector<1x1x96x196xf32>,
    %add3A_554 = arith.constant 15 : i32
    %add3A_555 = arith.addi %add3A, %add3A_554 : i32
    %get3A_556 = arith.index_cast %add3A_555 : i32 to index
    %get3A_557 = memref.load %arg3[%get3A_556] : memref<578xi32, #tpu.memory_space<smem>>
    %add3A_558 = arith.constant 15 : i32
    %add3A_559 = arith.addi %add3A, %add3A_558 : i32
    %get3A_560 = arith.index_cast %add3A_559 : i32 to index
    %get3A_561 = memref.load %arg2[%get3A_560] : memref<578xf32, #tpu.memory_space<smem>>
    %get3A_562 = arith.index_cast %get3A_557 : i32 to index
    %get3A_563 = arith.constant 0 : index
    %get3A_564 = arith.constant 0 : index
    %get3A_565 = vector.load %arg5[%get3A_562, %get3A_563, %get3A_564] : memref<8x96x96xf32, #tpu.memory_space<vmem>>, vector<1x96x96xf32>
    %get3A_566 = vector.shape_cast %get3A_565 : vector<1x96x96xf32> to vector<96x96xf32>
    %get3A_567 = arith.constant 0 : index
    %get3A_568 = arith.constant 15 : index
    %get3A_569 = arith.constant 0 : index
    %get3A_570 = arith.constant 0 : index
    %get3A_571 = vector.load %arg4[%get3A_567, %get3A_568, %get3A_569, %get3A_570] : memref<1x17x96x196xf32, #tpu.memory_space<vmem>>, vector<1x1x96x196xf32>
    %get3A_572 = vector.shape_cast %get3A_571 : vector<1x1x96x196xf32> to vector<96x196xf32>
    %dot_general3A_573 = arith.constant dense<0.000000e+00> : vector<96x196xf32>
    %dot_general3A_574 = tpu.matmul %get3A_566, %get3A_572, %dot_general3A_573 {dimension_numbers = #tpu.dot_dimension_numbers<[1], [0], [0], [1], [0, 0, 1, 1], [], []>, transpose_lhs_hint = false} : vector<96x96xf32>, vector<96x196xf32>, vector<96x196xf32> -> vector<96x196xf32>
    %get3A_575 = arith.index_cast %get3A_557 : i32 to index
    %get3A_576 = arith.constant 0 : index
    %get3A_577 = vector.load %arg6[%get3A_575, %get3A_576] : memref<8x96xf32, #tpu.memory_space<vmem>>, vector<1x96xf32>
    %get3A_578 = vector.shape_cast %get3A_577 : vector<1x96xf32> to vector<96xf32>
    %broadcast_in_dim3A_579 = vector.shape_cast %get3A_578 : vector<96xf32> to vector<96x1xf32>
    %add3A_580 = vector.broadcast %broadcast_in_dim3A_579 : vector<96x1xf32> to vector<96x196xf32>
    %add3A_581 = arith.addf %dot_general3A_574, %add3A_580 : vector<96x196xf32>
    %mul3A_582 = vector.broadcast %get3A_561 : f32 to vector<96x196xf32>
    %mul3A_583 = arith.mulf %add3A_581, %mul3A_582 : vector<96x196xf32>
    %swap3A_584 = arith.constant 0 : index
    %swap3A_585 = arith.constant 15 : index
    %swap3A_586 = arith.constant 0 : index
    %swap3A_587 = arith.constant 0 : index
    %swap3A_588 = vector.load %arg7[%swap3A_584, %swap3A_585, %swap3A_586, %swap3A_587] : memref<1x17x96x196xf32, #tpu.memory_space<vmem>>, vector<1x1x96x196xf32>
    %swap3A_589 = vector.shape_cast %swap3A_588 : vector<1x1x96x196xf32> to vector<96x196xf32>
    %swap3A_590 = vector.shape_cast %mul3A_583 : vector<96x196xf32> to vector<1x1x96x196xf32>
    tpu.vector_store %arg7[%swap3A_584, %swap3A_585, %swap3A_586, %swap3A_587], %swap3A_590 {strides = array<i32>} : memref<1x17x96x196xf32, #tpu.memory_space<vmem>>, vector<1x1x96x196xf32>,
    %add3A_591 = arith.constant 16 : i32
    %add3A_592 = arith.addi %add3A, %add3A_591 : i32
    %get3A_593 = arith.index_cast %add3A_592 : i32 to index
    %get3A_594 = memref.load %arg3[%get3A_593] : memref<578xi32, #tpu.memory_space<smem>>
    %add3A_595 = arith.constant 16 : i32
    %add3A_596 = arith.addi %add3A, %add3A_595 : i32
    %get3A_597 = arith.index_cast %add3A_596 : i32 to index
    %get3A_598 = memref.load %arg2[%get3A_597] : memref<578xf32, #tpu.memory_space<smem>>
    %get3A_599 = arith.index_cast %get3A_594 : i32 to index
    %get3A_600 = arith.constant 0 : index
    %get3A_601 = arith.constant 0 : index
    %get3A_602 = vector.load %arg5[%get3A_599, %get3A_600, %get3A_601] : memref<8x96x96xf32, #tpu.memory_space<vmem>>, vector<1x96x96xf32>
    %get3A_603 = vector.shape_cast %get3A_602 : vector<1x96x96xf32> to vector<96x96xf32>
    %get3A_604 = arith.constant 0 : index
    %get3A_605 = arith.constant 16 : index
    %get3A_606 = arith.constant 0 : index
    %get3A_607 = arith.constant 0 : index
    %get3A_608 = vector.load %arg4[%get3A_604, %get3A_605, %get3A_606, %get3A_607] : memref<1x17x96x196xf32, #tpu.memory_space<vmem>>, vector<1x1x96x196xf32>
    %get3A_609 = vector.shape_cast %get3A_608 : vector<1x1x96x196xf32> to vector<96x196xf32>
    %dot_general3A_610 = arith.constant dense<0.000000e+00> : vector<96x196xf32>
    %dot_general3A_611 = tpu.matmul %get3A_603, %get3A_609, %dot_general3A_610 {dimension_numbers = #tpu.dot_dimension_numbers<[1], [0], [0], [1], [0, 0, 1, 1], [], []>, transpose_lhs_hint = false} : vector<96x96xf32>, vector<96x196xf32>, vector<96x196xf32> -> vector<96x196xf32>
    %get3A_612 = arith.index_cast %get3A_594 : i32 to index
    %get3A_613 = arith.constant 0 : index
    %get3A_614 = vector.load %arg6[%get3A_612, %get3A_613] : memref<8x96xf32, #tpu.memory_space<vmem>>, vector<1x96xf32>
    %get3A_615 = vector.shape_cast %get3A_614 : vector<1x96xf32> to vector<96xf32>
    %broadcast_in_dim3A_616 = vector.shape_cast %get3A_615 : vector<96xf32> to vector<96x1xf32>
    %add3A_617 = vector.broadcast %broadcast_in_dim3A_616 : vector<96x1xf32> to vector<96x196xf32>
    %add3A_618 = arith.addf %dot_general3A_611, %add3A_617 : vector<96x196xf32>
    %mul3A_619 = vector.broadcast %get3A_598 : f32 to vector<96x196xf32>
    %mul3A_620 = arith.mulf %add3A_618, %mul3A_619 : vector<96x196xf32>
    %swap3A_621 = arith.constant 0 : index
    %swap3A_622 = arith.constant 16 : index
    %swap3A_623 = arith.constant 0 : index
    %swap3A_624 = arith.constant 0 : index
    %swap3A_625 = vector.load %arg7[%swap3A_621, %swap3A_622, %swap3A_623, %swap3A_624] : memref<1x17x96x196xf32, #tpu.memory_space<vmem>>, vector<1x1x96x196xf32>
    %swap3A_626 = vector.shape_cast %swap3A_625 : vector<1x1x96x196xf32> to vector<96x196xf32>
    %swap3A_627 = vector.shape_cast %mul3A_620 : vector<96x196xf32> to vector<1x1x96x196xf32>
    tpu.vector_store %arg7[%swap3A_621, %swap3A_622, %swap3A_623, %swap3A_624], %swap3A_627 {strides = array<i32>} : memref<1x17x96x196xf32, #tpu.memory_space<vmem>>, vector<1x1x96x196xf32>,
    return
  }
  func.func @transform_0(%arg0: i32, %arg1: i32, %arg2: memref<578xf32, #tpu.memory_space<smem>>, %arg3: memref<578xi32, #tpu.memory_space<smem>>) -> (i32, i32, i32, i32) {
    %c0_i32 = arith.constant 0 : i32
    %c0_i32_0 = arith.constant 0 : i32
    %c0_i32_1 = arith.constant 0 : i32
    return %arg0, %arg1, %c0_i32, %c0_i32_0 : i32, i32, i32, i32
  }
  func.func @transform_1(%arg0: i32, %arg1: i32, %arg2: memref<578xf32, #tpu.memory_space<smem>>, %arg3: memref<578xi32, #tpu.memory_space<smem>>) -> (i32, i32, i32) {
    %c0_i32 = arith.constant 0 : i32
    %c0_i32_0 = arith.constant 0 : i32
    %c0_i32_1 = arith.constant 0 : i32
    %c0_i32_2 = arith.constant 0 : i32
    return %c0_i32, %c0_i32_0, %c0_i32_1 : i32, i32, i32
  }
  func.func @transform_2(%arg0: i32, %arg1: i32, %arg2: memref<578xf32, #tpu.memory_space<smem>>, %arg3: memref<578xi32, #tpu.memory_space<smem>>) -> (i32, i32) {
    %c0_i32 = arith.constant 0 : i32
    %c0_i32_0 = arith.constant 0 : i32
    %c0_i32_1 = arith.constant 0 : i32
    return %c0_i32, %c0_i32_0 : i32, i32
  }
  func.func @transform_3(%arg0: i32, %arg1: i32, %arg2: memref<578xf32, #tpu.memory_space<smem>>, %arg3: memref<578xi32, #tpu.memory_space<smem>>) -> (i32, i32, i32, i32) {
    %c0_i32 = arith.constant 0 : i32
    %c0_i32_0 = arith.constant 0 : i32
    %c0_i32_1 = arith.constant 0 : i32
    return %arg0, %arg1, %c0_i32, %c0_i32_0 : i32, i32, i32, i32
  }
}

module attributes {stable_mosaic.version = 14 : i64} {
  func.func @_rearrange_kernel(%arg0: i32, %arg1: i32, %arg2: memref<1x96x1x17x196xf32, #tpu.memory_space<vmem>>, %arg3: memref<1x96x1x14x224xf32, #tpu.memory_space<vmem>>) attributes {dimension_semantics = [#tpu.dimension_semantics<arbitrary>, #tpu.dimension_semantics<arbitrary>], iteration_bounds = array<i64: 2, 16>, scalar_prefetch = 0 : i64, scratch_operands = 0 : i64, tpu.core_type = #tpu.core_type<tc>, window_params = [{transform_indices = @transform_0, window_bounds = array<i64: 1, 96, 1, 17, 196>}, {transform_indices = @transform_1, window_bounds = array<i64: 1, 96, 1, 14, 224>}]} {
    %get3A = arith.constant 0 : index
    %get3A_0 = arith.constant 0 : index
    %get3A_1 = arith.constant 0 : index
    %get3A_2 = arith.constant 0 : index
    %get3A_3 = arith.constant 0 : index
    %get3A_4 = vector.load %arg2[%get3A, %get3A_0, %get3A_1, %get3A_2, %get3A_3] : memref<1x96x1x17x196xf32, #tpu.memory_space<vmem>>, vector<1x96x1x16x196xf32>
    %get3A_5 = vector.shape_cast %get3A_4 : vector<1x96x1x16x196xf32> to vector<96x16x196xf32>
    %iota3A = tpu.iota {dimensions = array<i32: 0>} : vector<14x224xi32>
    %iota3A_6 = tpu.iota {dimensions = array<i32: 1>} : vector<14x224xi32>
    %jit3A = arith.constant 14 : i32
    %eq3A = arith.constant 0 : i32
    %eq3A_7 = arith.cmpi eq, %jit3A, %eq3A : i32
    %jit3A_8 = arith.constant 1 : i32
    %select_n3A = arith.select %eq3A_7, %jit3A_8, %jit3A : i32
    %rem3A = vector.broadcast %select_n3A : i32 to vector<14x224xi32>
    %rem3A_9 = arith.remsi %iota3A_6, %rem3A : vector<14x224xi32>
    %ne3A = arith.constant 0 : i32
    %ne3A_10 = vector.broadcast %ne3A : i32 to vector<14x224xi32>
    %ne3A_11 = arith.cmpi ne, %rem3A_9, %ne3A_10 : vector<14x224xi32>
    %lt3A = arith.constant 0 : i32
    %lt3A_12 = vector.broadcast %lt3A : i32 to vector<14x224xi32>
    %lt3A_13 = arith.cmpi slt, %rem3A_9, %lt3A_12 : vector<14x224xi32>
    %lt3A_14 = arith.constant 0 : i32
    %lt3A_15 = arith.cmpi slt, %select_n3A, %lt3A_14 : i32
    %ne3A_16 = vector.broadcast %lt3A_15 : i1 to vector<14x224xi1>
    %ne3A_17 = vector.broadcast %ne3A_16 : vector<14x224xi1> to vector<14x224xi1>
    %ne3A_18 = arith.xori %lt3A_13, %ne3A_17 : vector<14x224xi1>
    %and3A = arith.andi %ne3A_18, %ne3A_11 : vector<14x224xi1>
    %add3A = vector.broadcast %select_n3A : i32 to vector<14x224xi32>
    %add3A_19 = arith.addi %rem3A_9, %add3A : vector<14x224xi32>
    %select_n3A_20 = arith.select %and3A, %add3A_19, %rem3A_9 : vector<14x224xi1>, vector<14x224xi32>
    %eq3A_21 = arith.cmpi eq, %select_n3A_20, %iota3A : vector<14x224xi32>
    %convert_element_type3A = arith.extui %eq3A_21 : vector<14x224xi1> to vector<14x224xi32>
    %convert_element_type3A_22 = arith.sitofp %convert_element_type3A : vector<14x224xi32> to vector<14x224xf32>
    %iota3A_23 = tpu.iota {dimensions = array<i32: 0>} : vector<16x224xi32>
    %slice3A = vector.extract_strided_slice %iota3A_6 {offsets = [0, 0], sizes = [1, 224], strides = [1, 1]} : vector<14x224xi32> to vector<1x224xi32>
    %jit3A_24 = arith.constant 14 : i32
    %div3A = vector.broadcast %jit3A_24 : i32 to vector<1x224xi32>
    %div3A_25 = arith.divsi %slice3A, %div3A : vector<1x224xi32>
    %sign3A = arith.constant 0 : i32
    %sign3A_26 = vector.broadcast %sign3A : i32 to vector<1x224xi32>
    %sign3A_27 = arith.cmpi sgt, %slice3A, %sign3A_26 : vector<1x224xi32>
    %sign3A_28 = arith.extui %sign3A_27 : vector<1x224xi1> to vector<1x224xi32>
    %sign3A_29 = arith.constant 0 : i32
    %sign3A_30 = vector.broadcast %sign3A_29 : i32 to vector<1x224xi32>
    %sign3A_31 = arith.cmpi slt, %slice3A, %sign3A_30 : vector<1x224xi32>
    %sign3A_32 = arith.extui %sign3A_31 : vector<1x224xi1> to vector<1x224xi32>
    %sign3A_33 = arith.subi %sign3A_28, %sign3A_32 : vector<1x224xi32>
    %sign3A_34 = arith.constant 0 : i32
    %sign3A_35 = arith.cmpi sgt, %jit3A_24, %sign3A_34 : i32
    %sign3A_36 = arith.extui %sign3A_35 : i1 to i32
    %sign3A_37 = arith.constant 0 : i32
    %sign3A_38 = arith.cmpi slt, %jit3A_24, %sign3A_37 : i32
    %sign3A_39 = arith.extui %sign3A_38 : i1 to i32
    %sign3A_40 = arith.subi %sign3A_36, %sign3A_39 : i32
    %ne3A_41 = vector.broadcast %sign3A_40 : i32 to vector<1x224xi32>
    %ne3A_42 = arith.cmpi ne, %sign3A_33, %ne3A_41 : vector<1x224xi32>
    %rem3A_43 = vector.broadcast %jit3A_24 : i32 to vector<1x224xi32>
    %rem3A_44 = arith.remsi %slice3A, %rem3A_43 : vector<1x224xi32>
    %ne3A_45 = arith.constant 0 : i32
    %ne3A_46 = vector.broadcast %ne3A_45 : i32 to vector<1x224xi32>
    %ne3A_47 = arith.cmpi ne, %rem3A_44, %ne3A_46 : vector<1x224xi32>
    %and3A_48 = arith.andi %ne3A_42, %ne3A_47 : vector<1x224xi1>
    %sub3A = arith.constant 1 : i32
    %sub3A_49 = vector.broadcast %sub3A : i32 to vector<1x224xi32>
    %sub3A_50 = arith.subi %div3A_25, %sub3A_49 : vector<1x224xi32>
    %select_n3A_51 = arith.select %and3A_48, %sub3A_50, %div3A_25 : vector<1x224xi1>, vector<1x224xi32>
    %eq3A_52 = vector.broadcast %select_n3A_51 : vector<1x224xi32> to vector<16x224xi32>
    %eq3A_53 = arith.cmpi eq, %eq3A_52, %iota3A_23 : vector<16x224xi32>
    %convert_element_type3A_54 = arith.extui %eq3A_53 : vector<16x224xi1> to vector<16x224xi32>
    %convert_element_type3A_55 = arith.sitofp %convert_element_type3A_54 : vector<16x224xi32> to vector<16x224xf32>
    %broadcast_in_dim3A = vector.shape_cast %convert_element_type3A_55 : vector<16x224xf32> to vector<1x16x224xf32>
    %slice3A_56 = vector.extract_strided_slice %get3A_5 {offsets = [0, 0, 0], sizes = [96, 16, 14], strides = [1, 1, 1]} : vector<96x16x196xf32> to vector<96x16x14xf32>
    %reshape3A = vector.shape_cast %slice3A_56 : vector<96x16x14xf32> to vector<1536x14xf32>
    %dot_general3A = arith.constant dense<0.000000e+00> : vector<1536x224xf32>
    %dot_general3A_57 = tpu.matmul %reshape3A, %convert_element_type3A_22, %dot_general3A {dimension_numbers = #tpu.dot_dimension_numbers<[1], [0], [0], [1], [0, 0, 1, 1], [], []>, transpose_lhs_hint = false} : vector<1536x14xf32>, vector<14x224xf32>, vector<1536x224xf32> -> vector<1536x224xf32>
    %reshape3A_58 = vector.shape_cast %dot_general3A_57 : vector<1536x224xf32> to vector<96x16x224xf32>
    %mul3A = vector.broadcast %broadcast_in_dim3A : vector<1x16x224xf32> to vector<96x16x224xf32>
    %mul3A_59 = arith.mulf %reshape3A_58, %mul3A : vector<96x16x224xf32>
    %reduce_sum3A = arith.constant dense<0.000000e+00> : vector<96x224xf32>
    %reduce_sum3A_60 = vector.multi_reduction <add>, %mul3A_59, %reduce_sum3A [1] : vector<96x16x224xf32> to vector<96x224xf32>
    %swap3A = arith.constant 0 : index
    %swap3A_61 = arith.constant 0 : index
    %swap3A_62 = arith.constant 0 : index
    %swap3A_63 = arith.constant 0 : index
    %swap3A_64 = arith.constant 0 : index
    %swap3A_65 = vector.load %arg3[%swap3A, %swap3A_61, %swap3A_62, %swap3A_63, %swap3A_64] : memref<1x96x1x14x224xf32, #tpu.memory_space<vmem>>, vector<1x96x1x1x224xf32>
    %swap3A_66 = vector.shape_cast %swap3A_65 : vector<1x96x1x1x224xf32> to vector<96x224xf32>
    %swap3A_67 = vector.shape_cast %reduce_sum3A_60 : vector<96x224xf32> to vector<1x96x1x1x224xf32>
    tpu.vector_store %arg3[%swap3A, %swap3A_61, %swap3A_62, %swap3A_63, %swap3A_64], %swap3A_67 {strides = array<i32>} : memref<1x96x1x14x224xf32, #tpu.memory_space<vmem>>, vector<1x96x1x1x224xf32>,
    %slice3A_68 = vector.extract_strided_slice %get3A_5 {offsets = [0, 0, 14], sizes = [96, 16, 14], strides = [1, 1, 1]} : vector<96x16x196xf32> to vector<96x16x14xf32>
    %reshape3A_69 = vector.shape_cast %slice3A_68 : vector<96x16x14xf32> to vector<1536x14xf32>
    %dot_general3A_70 = arith.constant dense<0.000000e+00> : vector<1536x224xf32>
    %dot_general3A_71 = tpu.matmul %reshape3A_69, %convert_element_type3A_22, %dot_general3A_70 {dimension_numbers = #tpu.dot_dimension_numbers<[1], [0], [0], [1], [0, 0, 1, 1], [], []>, transpose_lhs_hint = false} : vector<1536x14xf32>, vector<14x224xf32>, vector<1536x224xf32> -> vector<1536x224xf32>
    %reshape3A_72 = vector.shape_cast %dot_general3A_71 : vector<1536x224xf32> to vector<96x16x224xf32>
    %mul3A_73 = vector.broadcast %broadcast_in_dim3A : vector<1x16x224xf32> to vector<96x16x224xf32>
    %mul3A_74 = arith.mulf %reshape3A_72, %mul3A_73 : vector<96x16x224xf32>
    %reduce_sum3A_75 = arith.constant dense<0.000000e+00> : vector<96x224xf32>
    %reduce_sum3A_76 = vector.multi_reduction <add>, %mul3A_74, %reduce_sum3A_75 [1] : vector<96x16x224xf32> to vector<96x224xf32>
    %swap3A_77 = arith.constant 0 : index
    %swap3A_78 = arith.constant 0 : index
    %swap3A_79 = arith.constant 0 : index
    %swap3A_80 = arith.constant 1 : index
    %swap3A_81 = arith.constant 0 : index
    %swap3A_82 = vector.load %arg3[%swap3A_77, %swap3A_78, %swap3A_79, %swap3A_80, %swap3A_81] : memref<1x96x1x14x224xf32, #tpu.memory_space<vmem>>, vector<1x96x1x1x224xf32>
    %swap3A_83 = vector.shape_cast %swap3A_82 : vector<1x96x1x1x224xf32> to vector<96x224xf32>
    %swap3A_84 = vector.shape_cast %reduce_sum3A_76 : vector<96x224xf32> to vector<1x96x1x1x224xf32>
    tpu.vector_store %arg3[%swap3A_77, %swap3A_78, %swap3A_79, %swap3A_80, %swap3A_81], %swap3A_84 {strides = array<i32>} : memref<1x96x1x14x224xf32, #tpu.memory_space<vmem>>, vector<1x96x1x1x224xf32>,
    %slice3A_85 = vector.extract_strided_slice %get3A_5 {offsets = [0, 0, 28], sizes = [96, 16, 14], strides = [1, 1, 1]} : vector<96x16x196xf32> to vector<96x16x14xf32>
    %reshape3A_86 = vector.shape_cast %slice3A_85 : vector<96x16x14xf32> to vector<1536x14xf32>
    %dot_general3A_87 = arith.constant dense<0.000000e+00> : vector<1536x224xf32>
    %dot_general3A_88 = tpu.matmul %reshape3A_86, %convert_element_type3A_22, %dot_general3A_87 {dimension_numbers = #tpu.dot_dimension_numbers<[1], [0], [0], [1], [0, 0, 1, 1], [], []>, transpose_lhs_hint = false} : vector<1536x14xf32>, vector<14x224xf32>, vector<1536x224xf32> -> vector<1536x224xf32>
    %reshape3A_89 = vector.shape_cast %dot_general3A_88 : vector<1536x224xf32> to vector<96x16x224xf32>
    %mul3A_90 = vector.broadcast %broadcast_in_dim3A : vector<1x16x224xf32> to vector<96x16x224xf32>
    %mul3A_91 = arith.mulf %reshape3A_89, %mul3A_90 : vector<96x16x224xf32>
    %reduce_sum3A_92 = arith.constant dense<0.000000e+00> : vector<96x224xf32>
    %reduce_sum3A_93 = vector.multi_reduction <add>, %mul3A_91, %reduce_sum3A_92 [1] : vector<96x16x224xf32> to vector<96x224xf32>
    %swap3A_94 = arith.constant 0 : index
    %swap3A_95 = arith.constant 0 : index
    %swap3A_96 = arith.constant 0 : index
    %swap3A_97 = arith.constant 2 : index
    %swap3A_98 = arith.constant 0 : index
    %swap3A_99 = vector.load %arg3[%swap3A_94, %swap3A_95, %swap3A_96, %swap3A_97, %swap3A_98] : memref<1x96x1x14x224xf32, #tpu.memory_space<vmem>>, vector<1x96x1x1x224xf32>
    %swap3A_100 = vector.shape_cast %swap3A_99 : vector<1x96x1x1x224xf32> to vector<96x224xf32>
    %swap3A_101 = vector.shape_cast %reduce_sum3A_93 : vector<96x224xf32> to vector<1x96x1x1x224xf32>
    tpu.vector_store %arg3[%swap3A_94, %swap3A_95, %swap3A_96, %swap3A_97, %swap3A_98], %swap3A_101 {strides = array<i32>} : memref<1x96x1x14x224xf32, #tpu.memory_space<vmem>>, vector<1x96x1x1x224xf32>,
    %slice3A_102 = vector.extract_strided_slice %get3A_5 {offsets = [0, 0, 42], sizes = [96, 16, 14], strides = [1, 1, 1]} : vector<96x16x196xf32> to vector<96x16x14xf32>
    %reshape3A_103 = vector.shape_cast %slice3A_102 : vector<96x16x14xf32> to vector<1536x14xf32>
    %dot_general3A_104 = arith.constant dense<0.000000e+00> : vector<1536x224xf32>
    %dot_general3A_105 = tpu.matmul %reshape3A_103, %convert_element_type3A_22, %dot_general3A_104 {dimension_numbers = #tpu.dot_dimension_numbers<[1], [0], [0], [1], [0, 0, 1, 1], [], []>, transpose_lhs_hint = false} : vector<1536x14xf32>, vector<14x224xf32>, vector<1536x224xf32> -> vector<1536x224xf32>
    %reshape3A_106 = vector.shape_cast %dot_general3A_105 : vector<1536x224xf32> to vector<96x16x224xf32>
    %mul3A_107 = vector.broadcast %broadcast_in_dim3A : vector<1x16x224xf32> to vector<96x16x224xf32>
    %mul3A_108 = arith.mulf %reshape3A_106, %mul3A_107 : vector<96x16x224xf32>
    %reduce_sum3A_109 = arith.constant dense<0.000000e+00> : vector<96x224xf32>
    %reduce_sum3A_110 = vector.multi_reduction <add>, %mul3A_108, %reduce_sum3A_109 [1] : vector<96x16x224xf32> to vector<96x224xf32>
    %swap3A_111 = arith.constant 0 : index
    %swap3A_112 = arith.constant 0 : index
    %swap3A_113 = arith.constant 0 : index
    %swap3A_114 = arith.constant 3 : index
    %swap3A_115 = arith.constant 0 : index
    %swap3A_116 = vector.load %arg3[%swap3A_111, %swap3A_112, %swap3A_113, %swap3A_114, %swap3A_115] : memref<1x96x1x14x224xf32, #tpu.memory_space<vmem>>, vector<1x96x1x1x224xf32>
    %swap3A_117 = vector.shape_cast %swap3A_116 : vector<1x96x1x1x224xf32> to vector<96x224xf32>
    %swap3A_118 = vector.shape_cast %reduce_sum3A_110 : vector<96x224xf32> to vector<1x96x1x1x224xf32>
    tpu.vector_store %arg3[%swap3A_111, %swap3A_112, %swap3A_113, %swap3A_114, %swap3A_115], %swap3A_118 {strides = array<i32>} : memref<1x96x1x14x224xf32, #tpu.memory_space<vmem>>, vector<1x96x1x1x224xf32>,
    %slice3A_119 = vector.extract_strided_slice %get3A_5 {offsets = [0, 0, 56], sizes = [96, 16, 14], strides = [1, 1, 1]} : vector<96x16x196xf32> to vector<96x16x14xf32>
    %reshape3A_120 = vector.shape_cast %slice3A_119 : vector<96x16x14xf32> to vector<1536x14xf32>
    %dot_general3A_121 = arith.constant dense<0.000000e+00> : vector<1536x224xf32>
    %dot_general3A_122 = tpu.matmul %reshape3A_120, %convert_element_type3A_22, %dot_general3A_121 {dimension_numbers = #tpu.dot_dimension_numbers<[1], [0], [0], [1], [0, 0, 1, 1], [], []>, transpose_lhs_hint = false} : vector<1536x14xf32>, vector<14x224xf32>, vector<1536x224xf32> -> vector<1536x224xf32>
    %reshape3A_123 = vector.shape_cast %dot_general3A_122 : vector<1536x224xf32> to vector<96x16x224xf32>
    %mul3A_124 = vector.broadcast %broadcast_in_dim3A : vector<1x16x224xf32> to vector<96x16x224xf32>
    %mul3A_125 = arith.mulf %reshape3A_123, %mul3A_124 : vector<96x16x224xf32>
    %reduce_sum3A_126 = arith.constant dense<0.000000e+00> : vector<96x224xf32>
    %reduce_sum3A_127 = vector.multi_reduction <add>, %mul3A_125, %reduce_sum3A_126 [1] : vector<96x16x224xf32> to vector<96x224xf32>
    %swap3A_128 = arith.constant 0 : index
    %swap3A_129 = arith.constant 0 : index
    %swap3A_130 = arith.constant 0 : index
    %swap3A_131 = arith.constant 4 : index
    %swap3A_132 = arith.constant 0 : index
    %swap3A_133 = vector.load %arg3[%swap3A_128, %swap3A_129, %swap3A_130, %swap3A_131, %swap3A_132] : memref<1x96x1x14x224xf32, #tpu.memory_space<vmem>>, vector<1x96x1x1x224xf32>
    %swap3A_134 = vector.shape_cast %swap3A_133 : vector<1x96x1x1x224xf32> to vector<96x224xf32>
    %swap3A_135 = vector.shape_cast %reduce_sum3A_127 : vector<96x224xf32> to vector<1x96x1x1x224xf32>
    tpu.vector_store %arg3[%swap3A_128, %swap3A_129, %swap3A_130, %swap3A_131, %swap3A_132], %swap3A_135 {strides = array<i32>} : memref<1x96x1x14x224xf32, #tpu.memory_space<vmem>>, vector<1x96x1x1x224xf32>,
    %slice3A_136 = vector.extract_strided_slice %get3A_5 {offsets = [0, 0, 70], sizes = [96, 16, 14], strides = [1, 1, 1]} : vector<96x16x196xf32> to vector<96x16x14xf32>
    %reshape3A_137 = vector.shape_cast %slice3A_136 : vector<96x16x14xf32> to vector<1536x14xf32>
    %dot_general3A_138 = arith.constant dense<0.000000e+00> : vector<1536x224xf32>
    %dot_general3A_139 = tpu.matmul %reshape3A_137, %convert_element_type3A_22, %dot_general3A_138 {dimension_numbers = #tpu.dot_dimension_numbers<[1], [0], [0], [1], [0, 0, 1, 1], [], []>, transpose_lhs_hint = false} : vector<1536x14xf32>, vector<14x224xf32>, vector<1536x224xf32> -> vector<1536x224xf32>
    %reshape3A_140 = vector.shape_cast %dot_general3A_139 : vector<1536x224xf32> to vector<96x16x224xf32>
    %mul3A_141 = vector.broadcast %broadcast_in_dim3A : vector<1x16x224xf32> to vector<96x16x224xf32>
    %mul3A_142 = arith.mulf %reshape3A_140, %mul3A_141 : vector<96x16x224xf32>
    %reduce_sum3A_143 = arith.constant dense<0.000000e+00> : vector<96x224xf32>
    %reduce_sum3A_144 = vector.multi_reduction <add>, %mul3A_142, %reduce_sum3A_143 [1] : vector<96x16x224xf32> to vector<96x224xf32>
    %swap3A_145 = arith.constant 0 : index
    %swap3A_146 = arith.constant 0 : index
    %swap3A_147 = arith.constant 0 : index
    %swap3A_148 = arith.constant 5 : index
    %swap3A_149 = arith.constant 0 : index
    %swap3A_150 = vector.load %arg3[%swap3A_145, %swap3A_146, %swap3A_147, %swap3A_148, %swap3A_149] : memref<1x96x1x14x224xf32, #tpu.memory_space<vmem>>, vector<1x96x1x1x224xf32>
    %swap3A_151 = vector.shape_cast %swap3A_150 : vector<1x96x1x1x224xf32> to vector<96x224xf32>
    %swap3A_152 = vector.shape_cast %reduce_sum3A_144 : vector<96x224xf32> to vector<1x96x1x1x224xf32>
    tpu.vector_store %arg3[%swap3A_145, %swap3A_146, %swap3A_147, %swap3A_148, %swap3A_149], %swap3A_152 {strides = array<i32>} : memref<1x96x1x14x224xf32, #tpu.memory_space<vmem>>, vector<1x96x1x1x224xf32>,
    %slice3A_153 = vector.extract_strided_slice %get3A_5 {offsets = [0, 0, 84], sizes = [96, 16, 14], strides = [1, 1, 1]} : vector<96x16x196xf32> to vector<96x16x14xf32>
    %reshape3A_154 = vector.shape_cast %slice3A_153 : vector<96x16x14xf32> to vector<1536x14xf32>
    %dot_general3A_155 = arith.constant dense<0.000000e+00> : vector<1536x224xf32>
    %dot_general3A_156 = tpu.matmul %reshape3A_154, %convert_element_type3A_22, %dot_general3A_155 {dimension_numbers = #tpu.dot_dimension_numbers<[1], [0], [0], [1], [0, 0, 1, 1], [], []>, transpose_lhs_hint = false} : vector<1536x14xf32>, vector<14x224xf32>, vector<1536x224xf32> -> vector<1536x224xf32>
    %reshape3A_157 = vector.shape_cast %dot_general3A_156 : vector<1536x224xf32> to vector<96x16x224xf32>
    %mul3A_158 = vector.broadcast %broadcast_in_dim3A : vector<1x16x224xf32> to vector<96x16x224xf32>
    %mul3A_159 = arith.mulf %reshape3A_157, %mul3A_158 : vector<96x16x224xf32>
    %reduce_sum3A_160 = arith.constant dense<0.000000e+00> : vector<96x224xf32>
    %reduce_sum3A_161 = vector.multi_reduction <add>, %mul3A_159, %reduce_sum3A_160 [1] : vector<96x16x224xf32> to vector<96x224xf32>
    %swap3A_162 = arith.constant 0 : index
    %swap3A_163 = arith.constant 0 : index
    %swap3A_164 = arith.constant 0 : index
    %swap3A_165 = arith.constant 6 : index
    %swap3A_166 = arith.constant 0 : index
    %swap3A_167 = vector.load %arg3[%swap3A_162, %swap3A_163, %swap3A_164, %swap3A_165, %swap3A_166] : memref<1x96x1x14x224xf32, #tpu.memory_space<vmem>>, vector<1x96x1x1x224xf32>
    %swap3A_168 = vector.shape_cast %swap3A_167 : vector<1x96x1x1x224xf32> to vector<96x224xf32>
    %swap3A_169 = vector.shape_cast %reduce_sum3A_161 : vector<96x224xf32> to vector<1x96x1x1x224xf32>
    tpu.vector_store %arg3[%swap3A_162, %swap3A_163, %swap3A_164, %swap3A_165, %swap3A_166], %swap3A_169 {strides = array<i32>} : memref<1x96x1x14x224xf32, #tpu.memory_space<vmem>>, vector<1x96x1x1x224xf32>,
    %slice3A_170 = vector.extract_strided_slice %get3A_5 {offsets = [0, 0, 98], sizes = [96, 16, 14], strides = [1, 1, 1]} : vector<96x16x196xf32> to vector<96x16x14xf32>
    %reshape3A_171 = vector.shape_cast %slice3A_170 : vector<96x16x14xf32> to vector<1536x14xf32>
    %dot_general3A_172 = arith.constant dense<0.000000e+00> : vector<1536x224xf32>
    %dot_general3A_173 = tpu.matmul %reshape3A_171, %convert_element_type3A_22, %dot_general3A_172 {dimension_numbers = #tpu.dot_dimension_numbers<[1], [0], [0], [1], [0, 0, 1, 1], [], []>, transpose_lhs_hint = false} : vector<1536x14xf32>, vector<14x224xf32>, vector<1536x224xf32> -> vector<1536x224xf32>
    %reshape3A_174 = vector.shape_cast %dot_general3A_173 : vector<1536x224xf32> to vector<96x16x224xf32>
    %mul3A_175 = vector.broadcast %broadcast_in_dim3A : vector<1x16x224xf32> to vector<96x16x224xf32>
    %mul3A_176 = arith.mulf %reshape3A_174, %mul3A_175 : vector<96x16x224xf32>
    %reduce_sum3A_177 = arith.constant dense<0.000000e+00> : vector<96x224xf32>
    %reduce_sum3A_178 = vector.multi_reduction <add>, %mul3A_176, %reduce_sum3A_177 [1] : vector<96x16x224xf32> to vector<96x224xf32>
    %swap3A_179 = arith.constant 0 : index
    %swap3A_180 = arith.constant 0 : index
    %swap3A_181 = arith.constant 0 : index
    %swap3A_182 = arith.constant 7 : index
    %swap3A_183 = arith.constant 0 : index
    %swap3A_184 = vector.load %arg3[%swap3A_179, %swap3A_180, %swap3A_181, %swap3A_182, %swap3A_183] : memref<1x96x1x14x224xf32, #tpu.memory_space<vmem>>, vector<1x96x1x1x224xf32>
    %swap3A_185 = vector.shape_cast %swap3A_184 : vector<1x96x1x1x224xf32> to vector<96x224xf32>
    %swap3A_186 = vector.shape_cast %reduce_sum3A_178 : vector<96x224xf32> to vector<1x96x1x1x224xf32>
    tpu.vector_store %arg3[%swap3A_179, %swap3A_180, %swap3A_181, %swap3A_182, %swap3A_183], %swap3A_186 {strides = array<i32>} : memref<1x96x1x14x224xf32, #tpu.memory_space<vmem>>, vector<1x96x1x1x224xf32>,
    %slice3A_187 = vector.extract_strided_slice %get3A_5 {offsets = [0, 0, 112], sizes = [96, 16, 14], strides = [1, 1, 1]} : vector<96x16x196xf32> to vector<96x16x14xf32>
    %reshape3A_188 = vector.shape_cast %slice3A_187 : vector<96x16x14xf32> to vector<1536x14xf32>
    %dot_general3A_189 = arith.constant dense<0.000000e+00> : vector<1536x224xf32>
    %dot_general3A_190 = tpu.matmul %reshape3A_188, %convert_element_type3A_22, %dot_general3A_189 {dimension_numbers = #tpu.dot_dimension_numbers<[1], [0], [0], [1], [0, 0, 1, 1], [], []>, transpose_lhs_hint = false} : vector<1536x14xf32>, vector<14x224xf32>, vector<1536x224xf32> -> vector<1536x224xf32>
    %reshape3A_191 = vector.shape_cast %dot_general3A_190 : vector<1536x224xf32> to vector<96x16x224xf32>
    %mul3A_192 = vector.broadcast %broadcast_in_dim3A : vector<1x16x224xf32> to vector<96x16x224xf32>
    %mul3A_193 = arith.mulf %reshape3A_191, %mul3A_192 : vector<96x16x224xf32>
    %reduce_sum3A_194 = arith.constant dense<0.000000e+00> : vector<96x224xf32>
    %reduce_sum3A_195 = vector.multi_reduction <add>, %mul3A_193, %reduce_sum3A_194 [1] : vector<96x16x224xf32> to vector<96x224xf32>
    %swap3A_196 = arith.constant 0 : index
    %swap3A_197 = arith.constant 0 : index
    %swap3A_198 = arith.constant 0 : index
    %swap3A_199 = arith.constant 8 : index
    %swap3A_200 = arith.constant 0 : index
    %swap3A_201 = vector.load %arg3[%swap3A_196, %swap3A_197, %swap3A_198, %swap3A_199, %swap3A_200] : memref<1x96x1x14x224xf32, #tpu.memory_space<vmem>>, vector<1x96x1x1x224xf32>
    %swap3A_202 = vector.shape_cast %swap3A_201 : vector<1x96x1x1x224xf32> to vector<96x224xf32>
    %swap3A_203 = vector.shape_cast %reduce_sum3A_195 : vector<96x224xf32> to vector<1x96x1x1x224xf32>
    tpu.vector_store %arg3[%swap3A_196, %swap3A_197, %swap3A_198, %swap3A_199, %swap3A_200], %swap3A_203 {strides = array<i32>} : memref<1x96x1x14x224xf32, #tpu.memory_space<vmem>>, vector<1x96x1x1x224xf32>,
    %slice3A_204 = vector.extract_strided_slice %get3A_5 {offsets = [0, 0, 126], sizes = [96, 16, 14], strides = [1, 1, 1]} : vector<96x16x196xf32> to vector<96x16x14xf32>
    %reshape3A_205 = vector.shape_cast %slice3A_204 : vector<96x16x14xf32> to vector<1536x14xf32>
    %dot_general3A_206 = arith.constant dense<0.000000e+00> : vector<1536x224xf32>
    %dot_general3A_207 = tpu.matmul %reshape3A_205, %convert_element_type3A_22, %dot_general3A_206 {dimension_numbers = #tpu.dot_dimension_numbers<[1], [0], [0], [1], [0, 0, 1, 1], [], []>, transpose_lhs_hint = false} : vector<1536x14xf32>, vector<14x224xf32>, vector<1536x224xf32> -> vector<1536x224xf32>
    %reshape3A_208 = vector.shape_cast %dot_general3A_207 : vector<1536x224xf32> to vector<96x16x224xf32>
    %mul3A_209 = vector.broadcast %broadcast_in_dim3A : vector<1x16x224xf32> to vector<96x16x224xf32>
    %mul3A_210 = arith.mulf %reshape3A_208, %mul3A_209 : vector<96x16x224xf32>
    %reduce_sum3A_211 = arith.constant dense<0.000000e+00> : vector<96x224xf32>
    %reduce_sum3A_212 = vector.multi_reduction <add>, %mul3A_210, %reduce_sum3A_211 [1] : vector<96x16x224xf32> to vector<96x224xf32>
    %swap3A_213 = arith.constant 0 : index
    %swap3A_214 = arith.constant 0 : index
    %swap3A_215 = arith.constant 0 : index
    %swap3A_216 = arith.constant 9 : index
    %swap3A_217 = arith.constant 0 : index
    %swap3A_218 = vector.load %arg3[%swap3A_213, %swap3A_214, %swap3A_215, %swap3A_216, %swap3A_217] : memref<1x96x1x14x224xf32, #tpu.memory_space<vmem>>, vector<1x96x1x1x224xf32>
    %swap3A_219 = vector.shape_cast %swap3A_218 : vector<1x96x1x1x224xf32> to vector<96x224xf32>
    %swap3A_220 = vector.shape_cast %reduce_sum3A_212 : vector<96x224xf32> to vector<1x96x1x1x224xf32>
    tpu.vector_store %arg3[%swap3A_213, %swap3A_214, %swap3A_215, %swap3A_216, %swap3A_217], %swap3A_220 {strides = array<i32>} : memref<1x96x1x14x224xf32, #tpu.memory_space<vmem>>, vector<1x96x1x1x224xf32>,
    %slice3A_221 = vector.extract_strided_slice %get3A_5 {offsets = [0, 0, 140], sizes = [96, 16, 14], strides = [1, 1, 1]} : vector<96x16x196xf32> to vector<96x16x14xf32>
    %reshape3A_222 = vector.shape_cast %slice3A_221 : vector<96x16x14xf32> to vector<1536x14xf32>
    %dot_general3A_223 = arith.constant dense<0.000000e+00> : vector<1536x224xf32>
    %dot_general3A_224 = tpu.matmul %reshape3A_222, %convert_element_type3A_22, %dot_general3A_223 {dimension_numbers = #tpu.dot_dimension_numbers<[1], [0], [0], [1], [0, 0, 1, 1], [], []>, transpose_lhs_hint = false} : vector<1536x14xf32>, vector<14x224xf32>, vector<1536x224xf32> -> vector<1536x224xf32>
    %reshape3A_225 = vector.shape_cast %dot_general3A_224 : vector<1536x224xf32> to vector<96x16x224xf32>
    %mul3A_226 = vector.broadcast %broadcast_in_dim3A : vector<1x16x224xf32> to vector<96x16x224xf32>
    %mul3A_227 = arith.mulf %reshape3A_225, %mul3A_226 : vector<96x16x224xf32>
    %reduce_sum3A_228 = arith.constant dense<0.000000e+00> : vector<96x224xf32>
    %reduce_sum3A_229 = vector.multi_reduction <add>, %mul3A_227, %reduce_sum3A_228 [1] : vector<96x16x224xf32> to vector<96x224xf32>
    %swap3A_230 = arith.constant 0 : index
    %swap3A_231 = arith.constant 0 : index
    %swap3A_232 = arith.constant 0 : index
    %swap3A_233 = arith.constant 10 : index
    %swap3A_234 = arith.constant 0 : index
    %swap3A_235 = vector.load %arg3[%swap3A_230, %swap3A_231, %swap3A_232, %swap3A_233, %swap3A_234] : memref<1x96x1x14x224xf32, #tpu.memory_space<vmem>>, vector<1x96x1x1x224xf32>
    %swap3A_236 = vector.shape_cast %swap3A_235 : vector<1x96x1x1x224xf32> to vector<96x224xf32>
    %swap3A_237 = vector.shape_cast %reduce_sum3A_229 : vector<96x224xf32> to vector<1x96x1x1x224xf32>
    tpu.vector_store %arg3[%swap3A_230, %swap3A_231, %swap3A_232, %swap3A_233, %swap3A_234], %swap3A_237 {strides = array<i32>} : memref<1x96x1x14x224xf32, #tpu.memory_space<vmem>>, vector<1x96x1x1x224xf32>,
    %slice3A_238 = vector.extract_strided_slice %get3A_5 {offsets = [0, 0, 154], sizes = [96, 16, 14], strides = [1, 1, 1]} : vector<96x16x196xf32> to vector<96x16x14xf32>
    %reshape3A_239 = vector.shape_cast %slice3A_238 : vector<96x16x14xf32> to vector<1536x14xf32>
    %dot_general3A_240 = arith.constant dense<0.000000e+00> : vector<1536x224xf32>
    %dot_general3A_241 = tpu.matmul %reshape3A_239, %convert_element_type3A_22, %dot_general3A_240 {dimension_numbers = #tpu.dot_dimension_numbers<[1], [0], [0], [1], [0, 0, 1, 1], [], []>, transpose_lhs_hint = false} : vector<1536x14xf32>, vector<14x224xf32>, vector<1536x224xf32> -> vector<1536x224xf32>
    %reshape3A_242 = vector.shape_cast %dot_general3A_241 : vector<1536x224xf32> to vector<96x16x224xf32>
    %mul3A_243 = vector.broadcast %broadcast_in_dim3A : vector<1x16x224xf32> to vector<96x16x224xf32>
    %mul3A_244 = arith.mulf %reshape3A_242, %mul3A_243 : vector<96x16x224xf32>
    %reduce_sum3A_245 = arith.constant dense<0.000000e+00> : vector<96x224xf32>
    %reduce_sum3A_246 = vector.multi_reduction <add>, %mul3A_244, %reduce_sum3A_245 [1] : vector<96x16x224xf32> to vector<96x224xf32>
    %swap3A_247 = arith.constant 0 : index
    %swap3A_248 = arith.constant 0 : index
    %swap3A_249 = arith.constant 0 : index
    %swap3A_250 = arith.constant 11 : index
    %swap3A_251 = arith.constant 0 : index
    %swap3A_252 = vector.load %arg3[%swap3A_247, %swap3A_248, %swap3A_249, %swap3A_250, %swap3A_251] : memref<1x96x1x14x224xf32, #tpu.memory_space<vmem>>, vector<1x96x1x1x224xf32>
    %swap3A_253 = vector.shape_cast %swap3A_252 : vector<1x96x1x1x224xf32> to vector<96x224xf32>
    %swap3A_254 = vector.shape_cast %reduce_sum3A_246 : vector<96x224xf32> to vector<1x96x1x1x224xf32>
    tpu.vector_store %arg3[%swap3A_247, %swap3A_248, %swap3A_249, %swap3A_250, %swap3A_251], %swap3A_254 {strides = array<i32>} : memref<1x96x1x14x224xf32, #tpu.memory_space<vmem>>, vector<1x96x1x1x224xf32>,
    %slice3A_255 = vector.extract_strided_slice %get3A_5 {offsets = [0, 0, 168], sizes = [96, 16, 14], strides = [1, 1, 1]} : vector<96x16x196xf32> to vector<96x16x14xf32>
    %reshape3A_256 = vector.shape_cast %slice3A_255 : vector<96x16x14xf32> to vector<1536x14xf32>
    %dot_general3A_257 = arith.constant dense<0.000000e+00> : vector<1536x224xf32>
    %dot_general3A_258 = tpu.matmul %reshape3A_256, %convert_element_type3A_22, %dot_general3A_257 {dimension_numbers = #tpu.dot_dimension_numbers<[1], [0], [0], [1], [0, 0, 1, 1], [], []>, transpose_lhs_hint = false} : vector<1536x14xf32>, vector<14x224xf32>, vector<1536x224xf32> -> vector<1536x224xf32>
    %reshape3A_259 = vector.shape_cast %dot_general3A_258 : vector<1536x224xf32> to vector<96x16x224xf32>
    %mul3A_260 = vector.broadcast %broadcast_in_dim3A : vector<1x16x224xf32> to vector<96x16x224xf32>
    %mul3A_261 = arith.mulf %reshape3A_259, %mul3A_260 : vector<96x16x224xf32>
    %reduce_sum3A_262 = arith.constant dense<0.000000e+00> : vector<96x224xf32>
    %reduce_sum3A_263 = vector.multi_reduction <add>, %mul3A_261, %reduce_sum3A_262 [1] : vector<96x16x224xf32> to vector<96x224xf32>
    %swap3A_264 = arith.constant 0 : index
    %swap3A_265 = arith.constant 0 : index
    %swap3A_266 = arith.constant 0 : index
    %swap3A_267 = arith.constant 12 : index
    %swap3A_268 = arith.constant 0 : index
    %swap3A_269 = vector.load %arg3[%swap3A_264, %swap3A_265, %swap3A_266, %swap3A_267, %swap3A_268] : memref<1x96x1x14x224xf32, #tpu.memory_space<vmem>>, vector<1x96x1x1x224xf32>
    %swap3A_270 = vector.shape_cast %swap3A_269 : vector<1x96x1x1x224xf32> to vector<96x224xf32>
    %swap3A_271 = vector.shape_cast %reduce_sum3A_263 : vector<96x224xf32> to vector<1x96x1x1x224xf32>
    tpu.vector_store %arg3[%swap3A_264, %swap3A_265, %swap3A_266, %swap3A_267, %swap3A_268], %swap3A_271 {strides = array<i32>} : memref<1x96x1x14x224xf32, #tpu.memory_space<vmem>>, vector<1x96x1x1x224xf32>,
    %slice3A_272 = vector.extract_strided_slice %get3A_5 {offsets = [0, 0, 182], sizes = [96, 16, 14], strides = [1, 1, 1]} : vector<96x16x196xf32> to vector<96x16x14xf32>
    %reshape3A_273 = vector.shape_cast %slice3A_272 : vector<96x16x14xf32> to vector<1536x14xf32>
    %dot_general3A_274 = arith.constant dense<0.000000e+00> : vector<1536x224xf32>
    %dot_general3A_275 = tpu.matmul %reshape3A_273, %convert_element_type3A_22, %dot_general3A_274 {dimension_numbers = #tpu.dot_dimension_numbers<[1], [0], [0], [1], [0, 0, 1, 1], [], []>, transpose_lhs_hint = false} : vector<1536x14xf32>, vector<14x224xf32>, vector<1536x224xf32> -> vector<1536x224xf32>
    %reshape3A_276 = vector.shape_cast %dot_general3A_275 : vector<1536x224xf32> to vector<96x16x224xf32>
    %mul3A_277 = vector.broadcast %broadcast_in_dim3A : vector<1x16x224xf32> to vector<96x16x224xf32>
    %mul3A_278 = arith.mulf %reshape3A_276, %mul3A_277 : vector<96x16x224xf32>
    %reduce_sum3A_279 = arith.constant dense<0.000000e+00> : vector<96x224xf32>
    %reduce_sum3A_280 = vector.multi_reduction <add>, %mul3A_278, %reduce_sum3A_279 [1] : vector<96x16x224xf32> to vector<96x224xf32>
    %swap3A_281 = arith.constant 0 : index
    %swap3A_282 = arith.constant 0 : index
    %swap3A_283 = arith.constant 0 : index
    %swap3A_284 = arith.constant 13 : index
    %swap3A_285 = arith.constant 0 : index
    %swap3A_286 = vector.load %arg3[%swap3A_281, %swap3A_282, %swap3A_283, %swap3A_284, %swap3A_285] : memref<1x96x1x14x224xf32, #tpu.memory_space<vmem>>, vector<1x96x1x1x224xf32>
    %swap3A_287 = vector.shape_cast %swap3A_286 : vector<1x96x1x1x224xf32> to vector<96x224xf32>
    %swap3A_288 = vector.shape_cast %reduce_sum3A_280 : vector<96x224xf32> to vector<1x96x1x1x224xf32>
    tpu.vector_store %arg3[%swap3A_281, %swap3A_282, %swap3A_283, %swap3A_284, %swap3A_285], %swap3A_288 {strides = array<i32>} : memref<1x96x1x14x224xf32, #tpu.memory_space<vmem>>, vector<1x96x1x1x224xf32>,
    return
  }
  func.func @transform_0(%arg0: i32, %arg1: i32) -> (i32, i32, i32, i32, i32) {
    %c0_i32 = arith.constant 0 : i32
    %c0_i32_0 = arith.constant 0 : i32
    %c0_i32_1 = arith.constant 0 : i32
    %c0_i32_2 = arith.constant 0 : i32
    return %arg0, %c0_i32, %arg1, %c0_i32_0, %c0_i32_1 : i32, i32, i32, i32, i32
  }
  func.func @transform_1(%arg0: i32, %arg1: i32) -> (i32, i32, i32, i32, i32) {
    %c0_i32 = arith.constant 0 : i32
    %c0_i32_0 = arith.constant 0 : i32
    %c0_i32_1 = arith.constant 0 : i32
    %c0_i32_2 = arith.constant 0 : i32
    return %arg0, %c0_i32, %arg1, %c0_i32_0, %c0_i32_1 : i32, i32, i32, i32, i32
  }
}

</mosaic_0001>

<sc_bundles>
// kernel: sparse-core-data-format-call.cloned.1.call-start
scs
called_computation_lowered:
.L_overlay_start_0:
0x0: {  	s2 =	sld [smem:$0x3FD9]  }
0x1: {  	s3 =	sld [smem:$0x3FFE];
	_ =	sdelay $0x1  }
0x2: {  	s1 =	srdreg.scid  }
0x3: {  	s0 =	sand.u32 $0x1, s1  }
0x4: {  	s18 =	sshll.u32 s0, $0xA;
	s2 =	sadd.s32 s3, s2  }
0x5: {  	s2 =	sadd.s32 s2, s18  }
0x6: {  	[smem:$0x3FC3] =	sst s2  }
0x7: {  	_ = 	snop  }
0x8: {  	s2 =	sld [smem:$0x3FD0];
	(tm) =	ssettm $0x1  }
0x9: {  	s19 =	sld [smem:$0x3FFB];
	_ =	sdelay $0x3  }
0xa: {  	_ =	strace s19  }
0xb: {  	s3 =	sld [smem:$0x3FFC];
	_ =	sdelay $0x3  }
0xc: {  	_ =	strace s3  }
0xd: {  	s3 =	sld [smem:$0x3FFD];
	_ =	sdelay $0x3  }
0xe: {  	_ =	strace s3  }
0xf: {  	_ =	strace $0x8FFFFFFF  }
0x10: {  	s20 =	sld [smem:$0x3FDB];
	_ =	sdelay $0x1  }
0x11: {  	s4 =	simm.s32 $_scs_section_size  }
0x12: {  	s5 =	simm.s32 $_size__tile_overlayer_lowered;
	s6 =	simm.s32 $_tile_overlayer_lowered  }
0x13: {  	s23 =	simm.s32 $0x1BFF;
	s22 =	sshll.u32 s6, $0x1;
	s3 =	sadd.s32 s4, s20  }
0x14: {  	s7 =	simm.s32 $0x0;
	s21 =	sshll.u32 s5, $0x1;
	s5 =	sadd.s32 s22, s3  }
0x15: {  	[timem:s7], [sflag:s23] =	dma.local [hbm:s5], s21  }
0x16: {  	_ =	swait.ge [sflag:s23], s21  }
0x17: {  	s4 =	ssub.s32 $0x0, s21;
	[sflag:s23] =	ssyncset.done $0x0  }
0x18: {  	[sflag:s23] =	ssyncadd.s32 s4;
	_ =	sdelay $0x1  }
0x19: {  	s24 =	simm.s32 $0x1B8B  }
0x1a: {  	_ =	swait.ge [sflag:s24], $0x1  }
0x1b: {  	[sflag:s24] =	ssyncset.done $0x0  }
0x1c: {  	s26 =	simm.s32 $0x1B8E;
	s25 =	sld [smem:$0x3FFE];
	[sflag:s24] =	ssyncadd.s32 $0xFFFFFFFF  }
0x1d: {  	s27 =	simm.s32 $execute0_lowered;
	[smem:$0x3FD2] =	sst s26  }
0x1e: {  	s5 =	sshll.u32 s27, $0x1;
	_ =	strace $0x80000046;
	[dreg:$0x1] =	wrdreg $0xFFFFFFFF  }
0x1f: {  	s28 =	simm.s32 $_size_execute0_lowered;
	s3 =	sadd.s32 s3, s5;
	[dreg:$0x0] =	wrdreg $0x0  }
0x20: {  	s5 =	sshll.u32 s28, $0x1;
	[dreg:$0x2] =	wrdreg s3  }
0x21: {  	[dreg:$0x3] =	wrdreg s5  }
0x22: {  	[dreg:$0x4] =	wrdreg $0xC0  }
0x23: {  	_ =	task [dreg:s7], $0x5FFFF  }
0x24: {  	[dreg:$0x1] =	wrdreg $0xFFFFFFFF  }
0x25: {  	[dreg:$0x0] =	wrdreg $0x60  }
0x26: {  	[dreg:$0x2] =	wrdreg s25  }
0x27: {  	[dreg:$0x3] =	wrdreg s2  }
0x28: {  	[dreg:$0x4] =	wrdreg $0x9  }
0x29: {  	_ =	task.clear_ibuf [dreg:s7], $0x5FFFF;
	_ =	strace $0x90000046  }
0x2a: {  	s29 =	simm.s32 $0x9;
	_ =	strace $0x80000048  }
0x2b: {  	_ =	swait.ge [sflag:s29], $0x1  }
0x2c: {  	[sflag:s29] =	ssyncadd.s32 $0xFFFFFFFF  }
0x2d: {  	_ =	strace $0x90000048  }
0x2e: {  	_ =	sfence  }
0x2f: {  	s30 =	sld [smem:$0x0];
	_ =	sdelay $0x2  }
0x30: {  	s31 =	sshll.u32 s1, $0xD;
	s1 =	sshrl.u32 s1, $0x2  }
0x31: {  	s3 =	sand.u32 $0x4000, s31;
	s1 =	sadd.s32 s1, s30  }
0x32: {  	s0 =	sor.u32 s3, s0;
	s1 =	sshll.u32 s1, $0x11  }
0x33: {  	s0 =	sor.u32 s1, s0  }
0x34: {  	s0 =	sadd.s32 $0x8F2B, s0  }
0x35: {  	[sflag:s0] =	ssyncadd.remote.s32 $0x1  }
0x36: {  	_ =	sfence.sel $0xFFFF  }
0x37: {  	[dreg:$0x0] =	wrdreg $0xFFFFFFFF;
	(pc) =	sbr.abs _section_cstart, $3  }
0x38: {  	[dreg:$0x1] =	wrdreg $0xFFFFFFFF  }
0x39: {  	_ =	task.clear_ibuf [dreg:s7], $0x2FFFF;
	_ =	strace $0x9FFFFFFF  }
0x3a: {  	(tm) =	ssettm $0x7FFFFFFF  }
0x3b: {  	_ =	shalt  }
tec
execute0_lowered:
.L_overlay_start_1:
0x0: {  	(tag) =	ssettag $0x1  }
0x1: {  	s0 =	stileid.u32;
	s1 =	srdreg.scid  }
0x2: {  	s2 =	sshll.u32 s0, $0x2;
	s1 =	sshll.u32 s1, $0x6  }
0x3: {  	s1 =	sor.u32 s2, s1  }
0x4: {  	s7 =	rddreg [dreg:$0x0];
	s31 =	simm.s32 $0x2;
	s1 =	sand.u32 $0x78, s1  }
0x5: {  	s16 =	simm.s32 $0x0;
	s2 =	sand.u32 $0x1, s0;
	s3 =	ssub.s32 $0xE0, s1  }
0x6: {  	s9 =	simm.s32 $0x800;
	s4 =	ssub.s32 $0x2, s2;
	s5 =	sand.u32 $0x78, s3  }
0x7: {  	s6 =	sshrl.u32 s4, $0x1;
	p0 =	sne.s32 s5, $0x0;
	s5 =	simm.s32 $0x1  }
0x8: {  	s8 =	sand.u32 $0x1, s4;
	s3 =	sshrl.u32 s3, $0x7;
	s5 =	simm.s32 @!p0 $0x0  }
0x9: {  	s10 =	simm.s32 $0xE000;
	s6 =	sadd.s32 s8, s6;
	s3 =	sadd.s32 s5, s3  }
0xa: {  	s11 =	simm.s32 $0x0;
	s17 =	simm.s32 $0x0;
	s3 =	smul.u32 s3, s6  }
.Ltmp0:
0xb: {  	s18 =	simm.s32 $0x0;
	s12 =	simm.s32 $0x0;
	(pc) =	sbr.rel .LBB1_1-.Ltmp0, $4  }
0xc: {  	s15 =	simm.s32 $0x0;
	s24 =	simm.s32 $0x0;
	s4 =	rddreg [dreg:$0x1]  }
0xd: {  	_ =	strace $0x80000047;
	s5 =	simm.s32 $0x1;
	s6 =	smul.u32 $0xC, s3  }
0xe: {  	s7 =	sadd.s32 $0x180400, s7;
	s14 =	smov.u32 s2;
	[sflag:s5] =	ssyncpa.u1 $0x0  }
0xf: {  	s13 =	smov.u32 s1;
	[sflag:s31] =	ssyncpa.u1 $0x0;
	s8 =	sor.u32 $0x1, s6  }
.LBB1_7:
0x10: {  	s3 =	sadd.s32 $0x8, s12  }
0x11: {  	s16 =	sadd.s32 $0x80, s13;
	s19 =	smov.u32 s13;
	p1 =	sgt.s32 s3, $0x5F  }
0x12: {  	s19 =	smov.u32 @p1 s16  }
0x13: {  	s21 =	smov.u32 s14;
	s16 =	sadd.s32 $0x2, s14;
	p2 =	sgt.s32 s19, $0xDF  }
0x14: {  	s21 =	smov.u32 @p2 s16  }
0x15: {  	s3 =	simm.s32 @p1 $0x0;
	p1 =	sgt.s32 s21, $0x1  }
0x16: {  	p0 =	slt.u32 s15, $0x2;
	s21 =	smov.u32 @p1 s2;
	p1 =	sne.s32 s15, s8  }
.Ltmp1:
0x17: {  	s20 =	simm.s32 @!p0 $0x2;
	(pc) =	sbr.rel @!p1 .LBB1_8-.Ltmp1, $4  }
0x18: {  	s17 =	smov.u32 s13;
	s18 =	smov.u32 s14;
	_ =	swait.ge @!p0 [sflag:s20], $0x4000  }
0x19: {  	s11 =	sadd.s32 $0x4000, s11;
	[sflag:s20] =	ssyncset.done @!p0 $0x0;
	s19 =	smov.u32 @p2 s1  }
0x1a: {  	s16 =	smov.u32 s12;
	[sflag:s20] =	ssyncadd.s32 @!p0 $0xFFFFC000;
	s12 =	smov.u32 s3  }
0x1b: {  	s13 =	smov.u32 s19;
	s15 =	sadd.s32 $0x1, s15;
	s14 =	smov.u32 s21  }
.LBB1_1:
0x1c: {  	p0 =	sge.u32 s15, s6  }
0x1d: {  	s3 =	sshll.u32 @!p0 s12, $0x8;
	s19 =	sshll.u32 @!p0 s12, $0x7  }
0x1e: {  	s3 =	sand.u32 @!p0 $0xFFFFF800, s3;
	s19 =	sand.u32 @!p0 $0x300, s19  }
0x1f: {  	s3 =	sor.u32 @!p0 s19, s3  }
0x20: {  	s3 =	sshrl.u32 @!p0 s3, $0x8  }
0x21: {  	s19 =	smulhi.u32 @!p0 $0x2AAAAAB, s3  }
0x22: {  	s20 =	smul.u32 @!p0 $0xA8000, s14  }
0x23: {  	s19 =	smul.u32 @!p0 $0x60, s19  }
0x24: {  	s31 =	sadd.s32 $0xFFFFFFFF, s15;
	s21 =	sxor.u32 @!p0 $0xFFFFFFFF, s15;
	s22 =	smul.u32 @!p0 $0xC00, s13  }
0x25: {  	s20 =	sadd.s32 @!p0 s7, s20;
	s3 =	ssub.s32 @!p0 s3, s19;
	s19 =	sshll.u32 @!p0 s12, $0x4  }
0x26: {  	s21 =	sshll.u32 @!p0 s21, $0xE;
	s20 =	sadd.s32 @!p0 s22, s20;
	s19 =	sand.u32 @!p0 $0x10, s19  }
0x27: {  	s21 =	sand.u32 @!p0 $0x4000, s21;
	s3 =	sshll.u32 @!p0 s3, $0x5;
	s19 =	sadd.s32 @!p0 s19, s20  }
0x28: {  	s20 =	simm.s32 @!p0 $0x6000;
	s3 =	sadd.s32 @!p0 s3, s19;
	s19 =	simm.s32 @!p0 $0x800  }
0x29: {  	[tilespmem:s21], [sflag:$0x1] =	stream.strided.gather @!p0 [hbm4b:s3+s19], $0x4000, s20, s19, $0x38;
	[tilespmem:$0x10000] =	vst v63  }
0x2a: {  	p0 =	sge.u32 s31, s6  }
.Ltmp2:
0x2b: {  	_ = 	snop;
	(pc) =	sbr.rel @p0 .LBB1_7-.Ltmp2, $1  }
0x2c: {  	_ =	sdelay $0x3  }
0x2d: {  	s3 =	sshll.u32 s11, $0x2;
	_ =	swait.ge [sflag:s5], $0x4000;
	s19 =	sshll.u32 s15, $0xE  }
0x2e: {  	p0 =	por $0x0, $0x0;
	s25 =	simm.s32 $0x0;
	s26 =	simm.s32 $0x0  }
0x2f: {  	s3 =	sand.u32 $0x10000, s3;
	[sflag:s5] =	ssyncset.done $0x0;
	s22 =	sand.u32 $0x4000, s19  }
0x30: {  	s3 =	sshrl.u32 s3, $0x2;
	[sflag:s5] =	ssyncadd.s32 $0xFFFFC000;
	s19 =	sor.u32 $0x8000, s22  }
0x31: {  	s20 =	sor.u32 $0x40, s3;
	s21 =	sor.u32 $0x8410, s3;
	s23 =	sadd.s32 $0x8400, s3  }
.LBB1_3:
0x32: {  	v1 =	vld [tilespmem:s20+$0xFFFFFFD0]  }
0x33: {  	v2 =	vld [tilespmem:s20+$0x430]  }
0x34: {  	s3 =	sshll.u32 s26, $0xB;
	v4 =	vld [tilespmem:s20+$0xFFFFFFE0]  }
0x35: {  	v7 =	vld [tilespmem:s20+$0xFFFFFFF0];
	v0 =	vmov s3  }
0x36: {  	v8 =	vld [tilespmem:s20+$0x0]  }
0x37: {  	v9 =	vld [tilespmem:s20+$0x10];
	s3 =	sand.u32 $0x300, s24  }
0x38: {  	s27 =	sand.u32 $0x80, s24;
	v10 =	vld [tilespmem:s20+$0x20];
	s3 =	sadd.s32 s3, s22  }
0x39: {  	v11 =	vld [tilespmem:s20+$0x30];
	s3 =	sadd.s32 s27, s3;
	s27 =	simm.s32 $0x1;
	[tilespmem:s21+$0x60] =	vst v2  }
0x3a: {  	s27 =	simm.s32 @!p0 $0x0;
	[tilespmem:s21+$0xFFFFFC00] =	vst v1;
	v3 =	vld.idx.msk [tilespmem:v0+s3+$0x400 ss:$0x1], $0xffff;
	s3 =	sshll.u32 s25, $0x2  }
0x3b: {  	v6 =	vld [tilespmem:s20+$0x3D0];
	s27 =	sshll.u32 s27, $0x9;
	[tilespmem:s21+$0xFFFFFC10] =	vst v4;
	s3 =	sand.u32 $0xFFFFFC00, s3  }
0x3c: {  	v5 =	vld [tilespmem:s20+$0x3E0];
	[tilespmem:s21+$0xFFFFFC20] =	vst v7;
	s3 =	sor.u32 s27, s3  }
0x3d: {  	[tilespmem:s21+$0xFFFFFC30] =	vst v8;
	v4 =	vld [tilespmem:s20+$0x400];
	s3 =	sshrl.u32 s3, $0x2  }
0x3e: {  	[tilespmem:s21+$0xFFFFFC40] =	vst v9;
	v1 =	vld [tilespmem:s20+$0x410];
	s27 =	sadd.s32 s3, s23  }
0x3f: {  	[tilespmem:s27+$0x0] =	vst v3;
	v3 =	vld [tilespmem:s20+$0x3F0]  }
0x40: {  	s31 =	simm.s32 $0x80;
	s30 =	simm.s32 $0x100;
	[tilespmem:s21+$0xFFFFFC50] =	vst v10;
	v2 =	vld [tilespmem:s20+$0x420]  }
0x41: {  	s28 =	sadd.s32 $0x80, s20;
	s29 =	smov.u32 s21;
	v7 =	vld [tilespmem:s20+$0xFFFFFFC0];
	[tilespmem:s21+$0xFFFFFC60] =	vst v11;
	s3 =	sand.u32 $0x300, s31  }
.LBB1_4:
0x42: {  	p1 =	sne.s32 s30, $0x380;
	v8 =	vld [tilespmem:s28+$0xFFFFFFD0];
	s31 =	sand.u32 $0x80, s31;
	s3 =	sadd.s32 s3, s22;
	[tilespmem:s29+$0x0] =	vst v6  }
0x43: {  	s3 =	sadd.s32 s31, s3;
	v6 =	vld [tilespmem:s28+$0x430];
	[tilespmem:s29+$0x10] =	vst v5;
	s31 =	smov.u32 s30  }
0x44: {  	v5 =	vld.idx.msk [tilespmem:v0+s3+$0x400 ss:$0x1], $0xffff;
	[tilespmem:s29+$0x20] =	vst v3  }
0x45: {  	v3 =	vld [tilespmem:s28+$0xFFFFFFE0];
	[tilespmem:s29+$0x30] =	vst v4  }
0x46: {  	v4 =	vld [tilespmem:s28+$0xFFFFFFF0];
	[tilespmem:s29+$0xFFFFFBF0] =	vst v7  }
0x47: {  	v7 =	vld [tilespmem:s28+$0x0];
	[tilespmem:s29+$0x40] =	vst v1  }
0x48: {  	v1 =	vld [tilespmem:s28+$0x10];
	[tilespmem:s29+$0x50] =	vst v2;
	s29 =	sadd.s32 $0x800, s29  }
0x49: {  	s27 =	sadd.s32 $0x800, s27;
	v2 =	vld [tilespmem:s28+$0x20];
	[tilespmem:s29+$0x60] =	vst v6  }
0x4a: {  	v9 =	vld [tilespmem:s28+$0x30];
	[tilespmem:s27+$0x0] =	vst v5  }
0x4b: {  	[tilespmem:s29+$0xFFFFFC00] =	vst v8;
	v6 =	vld [tilespmem:s28+$0x3D0]  }
0x4c: {  	[tilespmem:s29+$0xFFFFFC10] =	vst v3;
	v5 =	vld [tilespmem:s28+$0x3E0]  }
.Ltmp3:
0x4d: {  	[tilespmem:s29+$0xFFFFFC20] =	vst v4;
	v3 =	vld [tilespmem:s28+$0x3F0];
	(pc) =	sbr.rel @p1 .LBB1_4-.Ltmp3, $4  }
0x4e: {  	[tilespmem:s29+$0xFFFFFC30] =	vst v7;
	v4 =	vld [tilespmem:s28+$0x400]  }
0x4f: {  	[tilespmem:s29+$0xFFFFFC40] =	vst v1;
	v1 =	vld [tilespmem:s28+$0x410]  }
0x50: {  	[tilespmem:s29+$0xFFFFFC50] =	vst v2;
	v2 =	vld [tilespmem:s28+$0x420]  }
0x51: {  	s30 =	sadd.s32 $0x80, s30;
	s3 =	sand.u32 $0x300, s31;
	v7 =	vld [tilespmem:s28+$0xFFFFFFC0];
	[tilespmem:s29+$0xFFFFFC60] =	vst v9;
	s28 =	sadd.s32 $0x80, s28  }
0x52: {  	[tilespmem:s29+$0x0] =	vst v6  }
0x53: {  	[tilespmem:s29+$0x10] =	vst v5  }
0x54: {  	v49 =	vld [tilespmem:s28+$0x430];
	[tilespmem:s29+$0x20] =	vst v3  }
0x55: {  	v50 =	vld [tilespmem:s28+$0xFFFFFFD0];
	[tilespmem:s29+$0x30] =	vst v4  }
0x56: {  	v51 =	vld [tilespmem:s28+$0xFFFFFFE0];
	[tilespmem:s29+$0x40] =	vst v1  }
0x57: {  	v52 =	vld [tilespmem:s28+$0xFFFFFFF0];
	[tilespmem:s29+$0x50] =	vst v2  }
0x58: {  	s30 =	sand.u32 $0x80, s31;
	s31 =	sadd.s32 $0x800, s29;
	v53 =	vld [tilespmem:s28+$0x0];
	[tilespmem:s29+$0xFFFFFBF0] =	vst v7  }
0x59: {  	v54 =	vld [tilespmem:s28+$0x10];
	[tilespmem:s31+$0x60] =	vst v49  }
0x5a: {  	v55 =	vld [tilespmem:s28+$0x20];
	[tilespmem:s31+$0xFFFFFC00] =	vst v50  }
0x5b: {  	v56 =	vld [tilespmem:s28+$0x30];
	[tilespmem:s31+$0xFFFFFC10] =	vst v51  }
0x5c: {  	v57 =	vld [tilespmem:s28+$0x3D0];
	[tilespmem:s31+$0xFFFFFC20] =	vst v52  }
0x5d: {  	v58 =	vld [tilespmem:s28+$0x3E0];
	[tilespmem:s31+$0xFFFFFC30] =	vst v53  }
0x5e: {  	v59 =	vld [tilespmem:s28+$0x3F0];
	[tilespmem:s31+$0xFFFFFC40] =	vst v54  }
0x5f: {  	v60 =	vld [tilespmem:s28+$0x400];
	[tilespmem:s31+$0xFFFFFC50] =	vst v55  }
0x60: {  	v61 =	vld [tilespmem:s28+$0xFFFFFFC0];
	[tilespmem:s31+$0xFFFFFC60] =	vst v56  }
0x61: {  	s3 =	sadd.s32 s3, s22;
	v62 =	vld [tilespmem:s28+$0x410];
	[tilespmem:s31+$0x0] =	vst v57  }
0x62: {  	v63 =	vld [tilespmem:s28+$0x420];
	s26 =	sadd.s32 $0x1, s26;
	s3 =	sadd.s32 s30, s3;
	[tilespmem:s31+$0x10] =	vst v58  }
0x63: {  	p1 =	sne.s32 s26, $0x8;
	v0 =	vld.idx.msk [tilespmem:v0+s3+$0x400 ss:$0x1], $0xffff;
	[tilespmem:s31+$0x20] =	vst v59  }
.Ltmp4:
0x64: {  	[tilespmem:s31+$0x30] =	vst v60;
	(pc) =	sbr.rel @p1 .LBB1_3-.Ltmp4, $4  }
0x65: {  	[tilespmem:s31+$0xFFFFFBF0] =	vst v61  }
0x66: {  	[tilespmem:s31+$0x40] =	vst v62  }
0x67: {  	s27 =	sadd.s32 $0x800, s27;
	s20 =	sadd.s32 $0x800, s20;
	[tilespmem:s31+$0x50] =	vst v63  }
0x68: {  	s25 =	sadd.s32 $0x80, s25;
	p0 =	por !p0, !p0;
	s21 =	sadd.s32 $0x80, s21;
	[tilespmem:s27+$0x0] =	vst v0  }
0x69: {  	s3 =	sshll.u32 s17, $0x8;
	s20 =	sshll.u32 s17, $0x7  }
0x6a: {  	s3 =	sand.u32 $0xFFFFF800, s3;
	s20 =	sand.u32 $0x300, s20  }
0x6b: {  	s3 =	sor.u32 s20, s3  }
0x6c: {  	s18 =	smul.u32 $0xA8000, s18;
	s3 =	sshrl.u32 s3, $0x8  }
0x6d: {  	s30 =	smulhi.u32 $0x124924A, s3  }
0x6e: {  	s16 =	smul.u32 $0x1C00, s16  }
0x6f: {  	s20 =	smul.u32 $0xE0, s30  }
.Ltmp5:
0x70: {  	s31 =	sshll.u32 s17, $0x4;
	s18 =	sadd.s32 s4, s18;
	(pc) =	sbr.rel .LBB1_7-.Ltmp5, $4  }
0x71: {  	s17 =	sand.u32 $0x10, s31;
	s16 =	sadd.s32 s16, s18;
	s3 =	ssub.s32 s3, s20  }
0x72: {  	s16 =	sadd.s32 s17, s16;
	s3 =	sshll.u32 s3, $0x5  }
0x73: {  	s3 =	sadd.s32 s3, s16  }
0x74: {  	[hbm4b:s3+s9] =	stream.strided.scatter [tilespmem:s19], [sflag:$0x2], $0x4000, s10, s9, $0x38;
	[tilespmem:$0x10000] =	vst v63  }
.LBB1_8:
0x75: {  	_ =	sfence.sel $0x180000  }
0x76: {  	s1 =	simm.s32 $0x1;
	[bflag:$0x0] =	sbarrier.arrive $0xFFFF  }
0x77: {  	s31 =	simm.s32 $0x2;
	[sflag:s1] =	ssyncpa.u1 $0x1  }
0x78: {  	[sflag:s31] =	ssyncpa.u1 $0x1  }
0x79: {  	_ =	strace $0x90000047  }
0x7a: {  	[bflag:$0x2] =	sbarrier.arrive $0xFFFF  }
0x7b: {  	p0 =	sne.s32 s0, $0x0;
	s0 =	rddreg [dreg:$0x2]  }
0x7c: {  	s0 =	sadd.s32 @!p0 $0x100000, s0  }
0x7d: {  	[sflag:s0] =	ssyncadd.tile.s32 @!p0 $0x1;
	_ =	shalt  }
.Lfunc_end1:
_tile_overlayer_lowered:
.L_overlay_start_2:
0x7e: {  	(tag) =	ssettag $0x2  }
0x7f: {  	s0 =	rddreg [dreg:$0x0];
	s2 =	stileid.u32  }
0x80: {  	s1 =	rddreg [dreg:$0x1];
	p0 =	sne.s32 s2, $0x0  }
0x81: {  	s3 =	rddreg [dreg:$0x2];
	[bflag:$0x3] =	sbarrier.arrive $0xFFFF;
	s2 =	simm.s32 @!p0 $0x1C01  }
0x82: {  	[timem:s3], [sflag:s2] =	dma.local @!p0 [hbm:s0], s1  }
0x83: {  	s0 =	simm.s32 @!p0 $0x1  }
0x84: {  	_ =	swait.ge @!p0 [sflag:s0], s1  }
0x85: {  	s1 =	ssub.s32 @!p0 $0x0, s1;
	[sflag:s0] =	ssyncset.done @!p0 $0x0  }
0x86: {  	[sflag:s0] =	ssyncadd.s32 @!p0 s1  }
0x87: {  	[bflag:$0x3] =	sbarrier.arrive $0xFFFF  }
0x88: {  	_ =	shalt  }

</sc_bundles>
